<compile_context>
chip_gen: v7x
topology: tpu7x:2x2x1
jax: 0.10.2.dev20260603
libtpu: 0.0.44.dev20260713+nightly
codegen_flags: <defaults>
</compile_context>

<pallas_src>
import functools

import jax
import jax.numpy as jnp
from jax import lax
from jax.experimental import pallas as pl
from jax.experimental.pallas import tpu as pltpu
from jax.experimental.pallas import tpu_sc as plsc

NUM_E = 26
VOC = 1000
D_E = 128
D_O = 512
B_SZ = 4096
L_SZ = 20
TOKENS = B_SZ * L_SZ
NC = 2
NS = 16
NW = NC * NS
R_TOT = NUM_E * TOKENS
RPW = R_TOT // NW
C2 = 128
NCH2 = RPW // C2
NBUF = 4
IDXB = 32
NOUT = NCH2 // NBUF
TB = 640


@functools.partial(
    pl.kernel,
    mesh=plsc.VectorSubcoreMesh(core_axis_name="c", subcore_axis_name="s"),
    out_type=jax.ShapeDtypeStruct((R_TOT, D_E), jnp.float32),
    scratch_types=[
        pltpu.VMEM((IDXB, C2), jnp.int32),
        pltpu.VMEM((NBUF, C2, D_E), jnp.float32),
        [pltpu.SemaphoreType.DMA] * NBUF,
        [pltpu.SemaphoreType.DMA] * NBUF,
    ],
)
def _sc_gather(rows_hbm, tab_hbm, x_hbm, idx_v, bufs_v, gsems, wsems):
    cid = lax.axis_index("c")
    sid = lax.axis_index("s")
    wid = sid * NC + cid
    r0 = wid * RPW

    def outer_body(j, carry):
        @pl.when(j % (IDXB // NBUF) == 0)
        def _():
            base = pl.multiple_of((r0 // C2) + j * NBUF, 8)
            pltpu.sync_copy(rows_hbm.at[pl.ds(base, IDXB)], idx_v)

        row = (j % (IDXB // NBUF)) * NBUF
        gathers = []
        for b in range(NBUF):
            off = r0 + (j * NBUF + b) * C2

            @pl.when(j > 0)
            def _(b=b, off=off):
                pltpu.make_async_copy(
                    bufs_v.at[b], x_hbm.at[pl.ds(off, C2)], wsems[b]
                ).wait()

            gathers.append(
                pltpu.async_copy(
                    tab_hbm.at[idx_v.at[row + b]], bufs_v.at[b], gsems[b]
                )
            )
        for b in range(NBUF):
            off = r0 + (j * NBUF + b) * C2
            gathers[b].wait()
            pltpu.async_copy(bufs_v.at[b], x_hbm.at[pl.ds(off, C2)], wsems[b])
        return carry

    lax.fori_loop(0, NOUT, outer_body, 0)
    for b in range(NBUF):
        pltpu.make_async_copy(
            bufs_v.at[b], x_hbm.at[pl.ds(r0, C2)], wsems[b]
        ).wait()


def _tc_matmul(x_flat, w2, bias2):
    def body(x_ref, w_ref, b_ref, o_ref):
        xb = x_ref.reshape(TB, NUM_E * D_E)[...]
        part = jnp.dot(
            xb.astype(jnp.bfloat16), w_ref[...],
            preferred_element_type=jnp.float32) + b_ref[...]
        for g in range(TB // L_SZ):
            o_ref[g] = part[g * L_SZ:(g + 1) * L_SZ]

    return pl.pallas_call(
        body,
        grid=(TOKENS // TB,),
        in_specs=[
            pl.BlockSpec((NUM_E * TB, D_E), lambda t: (t, 0)),
            pl.BlockSpec((NUM_E * D_E, D_O), lambda t: (0, 0)),
            pl.BlockSpec((1, D_O), lambda t: (0, 0)),
        ],
        out_specs=pl.BlockSpec((TB // L_SZ, L_SZ, D_O), lambda t: (t, 0, 0)),
        out_shape=jax.ShapeDtypeStruct((B_SZ, L_SZ, D_O), jnp.float32),
    )(x_flat, w2, bias2)


def kernel(inputs, tables, W, b):
    tab2 = tables.reshape(NUM_E * VOC, D_E)
    idx2 = inputs.reshape(TOKENS, NUM_E)
    src = (idx2 + jnp.arange(NUM_E, dtype=jnp.int32) * VOC).reshape(
        R_TOT // C2, C2)
    x = _sc_gather(src, tab2)
    return _tc_matmul(x, W.astype(jnp.bfloat16), b.reshape(1, D_O))

# --- scband reference (transcript-rebuilt; emitter-appended) ---
"""Pipeline reference for scband-categorical-embedding-11158325035157 (READ-ONLY COPY).

The authoritative reference and input builder live on the scoring server;
editing this copy changes nothing except your own understanding.
"""

import jax, jax.numpy as jnp
import numpy as np

NUM_EMB = 26
VOCAB = 1000
EMB_DIM = 128
OUT_DIM = 512
B = 4096
L = 20

def setup_inputs(seed: int = 0) -> dict:
    key = jax.random.key(seed)
    k1, k2, k3, k4 = jax.random.split(key, 4)
    inputs = jax.random.randint(k1, (B, L, NUM_EMB), 0, VOCAB, dtype=jnp.int32)
    tables = jax.random.normal(k2, (NUM_EMB, VOCAB, EMB_DIM), dtype=jnp.float32) * 0.05
    W = jax.random.normal(k3, (NUM_EMB * EMB_DIM, OUT_DIM), dtype=jnp.float32) * 0.02
    b = jnp.zeros((OUT_DIM,), dtype=jnp.float32)
    return {"inputs": inputs, "tables": tables, "W": W, "b": b}

def reference(inputs, tables, W, b):
    # per-field embedding lookup, concatenated on feature axis
    embs = [jnp.take(tables[i], inputs[:, :, i], axis=0) for i in range(NUM_EMB)]
    x = jnp.concatenate(embs, axis=-1)  # [B, L, NUM_EMB*EMB_DIM]
    # linear layer (Dense with bias, linear activation)
    out = jnp.dot(x, W) + b  # [B, L, OUT_DIM]
    return out

if __name__ == "__main__":
    import jax
    _d = setup_inputs()
    print(jax.jit(kernel)(*tuple(_d.values())))

</pallas_src>

<mosaic_0001>
#map = affine_map<(d0, d1) -> (0, 0)>
module attributes {stable_mosaic.version = 14 : i64} {
  func.func @_sc_gather(%arg0: i32, %arg1: i32, %arg2: memref<16640x128xi32, #tpu.memory_space<hbm>>, %arg3: memref<26000x128xf32, #tpu.memory_space<hbm>>, %arg4: memref<2129920x128xf32, #tpu.memory_space<hbm>>, %arg5: memref<32x128xi32, #tpu.memory_space<vmem>>, %arg6: memref<4x128x128xf32, #tpu.memory_space<vmem>>, %arg7: memref<!tpu.dma_semaphore, #tpu.memory_space<semaphore_mem>>, %arg8: memref<!tpu.dma_semaphore, #tpu.memory_space<semaphore_mem>>, %arg9: memref<!tpu.dma_semaphore, #tpu.memory_space<semaphore_mem>>, %arg10: memref<!tpu.dma_semaphore, #tpu.memory_space<semaphore_mem>>, %arg11: memref<!tpu.dma_semaphore, #tpu.memory_space<semaphore_mem>>, %arg12: memref<!tpu.dma_semaphore, #tpu.memory_space<semaphore_mem>>, %arg13: memref<!tpu.dma_semaphore, #tpu.memory_space<semaphore_mem>>, %arg14: memref<!tpu.dma_semaphore, #tpu.memory_space<semaphore_mem>>) attributes {dimension_semantics = [#tpu.dimension_semantics<core_parallel>, #tpu.dimension_semantics<subcore_parallel>], iteration_bounds = array<i64: 2, 16>, scalar_prefetch = 0 : i64, scratch_operands = 10 : i64, tpu.core_type = #tpu.core_type<sc_vector_subcore>, window_params = [{transform_indices = #map}, {transform_indices = #map}, {transform_indices = #map}]} {
    %mul3A = arith.constant 2 : i32
    %mul3A_0 = arith.muli %arg1, %mul3A : i32
    %add3A = arith.addi %mul3A_0, %arg0 : i32
    %mul3A_1 = arith.constant 66560 : i32
    %mul3A_2 = arith.muli %add3A, %mul3A_1 : i32
    %scan3A = arith.constant 0 : i32
    %scan3A_3 = arith.constant 0 : i32
    %scan3A_4 = arith.constant 130 : i32
    %scan3A_5 = arith.addi %scan3A_3, %scan3A_4 : i32
    %scan3A_6 = arith.constant 1 : i32
    scf.for %scan3A_59 = %scan3A_3 to %scan3A_5 step %scan3A_6  : i32 {
      %jit3A = arith.constant 8 : i32
      %eq3A = arith.constant 0 : i32
      %eq3A_60 = arith.cmpi eq, %jit3A, %eq3A : i32
      %jit3A_61 = arith.constant 1 : i32
      %select_n3A = arith.select %eq3A_60, %jit3A_61, %jit3A : i32
      %rem3A = arith.remsi %scan3A_59, %select_n3A : i32
      %ne3A = arith.constant 0 : i32
      %ne3A_62 = arith.cmpi ne, %rem3A, %ne3A : i32
      %lt3A = arith.constant 0 : i32
      %lt3A_63 = arith.cmpi slt, %rem3A, %lt3A : i32
      %lt3A_64 = arith.constant 0 : i32
      %lt3A_65 = arith.cmpi slt, %select_n3A, %lt3A_64 : i32
      %ne3A_66 = arith.xori %lt3A_63, %lt3A_65 : i1
      %and3A = arith.andi %ne3A_66, %ne3A_62 : i1
      %add3A_67 = arith.addi %rem3A, %select_n3A : i32
      %select_n3A_68 = arith.select %and3A, %add3A_67, %rem3A : i32
      %eq3A_69 = arith.constant 0 : i32
      %eq3A_70 = arith.cmpi eq, %select_n3A_68, %eq3A_69 : i32
      %convert_element_type3A = arith.extui %eq3A_70 : i1 to i32
      %cond3A = arith.constant 0 : i32
      %cond3A_71 = arith.cmpi ne, %convert_element_type3A, %cond3A : i32
      scf.if %cond3A_71 {
        %jit3A_312 = arith.constant 128 : i32
        %div3A = arith.divsi %mul3A_2, %jit3A_312 : i32
        %sign3A = arith.constant 0 : i32
        %sign3A_313 = arith.cmpi sgt, %mul3A_2, %sign3A : i32
        %sign3A_314 = arith.extui %sign3A_313 : i1 to i32
        %sign3A_315 = arith.constant 0 : i32
        %sign3A_316 = arith.cmpi slt, %mul3A_2, %sign3A_315 : i32
        %sign3A_317 = arith.extui %sign3A_316 : i1 to i32
        %sign3A_318 = arith.subi %sign3A_314, %sign3A_317 : i32
        %sign3A_319 = arith.constant 0 : i32
        %sign3A_320 = arith.cmpi sgt, %jit3A_312, %sign3A_319 : i32
        %sign3A_321 = arith.extui %sign3A_320 : i1 to i32
        %sign3A_322 = arith.constant 0 : i32
        %sign3A_323 = arith.cmpi slt, %jit3A_312, %sign3A_322 : i32
        %sign3A_324 = arith.extui %sign3A_323 : i1 to i32
        %sign3A_325 = arith.subi %sign3A_321, %sign3A_324 : i32
        %ne3A_326 = arith.cmpi ne, %sign3A_318, %sign3A_325 : i32
        %rem3A_327 = arith.remsi %mul3A_2, %jit3A_312 : i32
        %ne3A_328 = arith.constant 0 : i32
        %ne3A_329 = arith.cmpi ne, %rem3A_327, %ne3A_328 : i32
        %and3A_330 = arith.andi %ne3A_326, %ne3A_329 : i1
        %sub3A = arith.constant 1 : i32
        %sub3A_331 = arith.subi %div3A, %sub3A : i32
        %select_n3A_332 = arith.select %and3A_330, %sub3A_331, %div3A : i32
        %mul3A_333 = arith.constant 4 : i32
        %mul3A_334 = arith.muli %scan3A_59, %mul3A_333 : i32
        %add3A_335 = arith.addi %select_n3A_332, %mul3A_334 : i32
        %multiple_of3A = tpu.assume_multiple %add3A_335, 8 : i32
        "tpu.region"() ({
          %run_scoped3A = tpu.sem_alloc : memref<!tpu.dma_semaphore, #tpu.memory_space<semaphore_mem>>
          %dma_start3A_336 = arith.constant 0 : i32
          %dma_start3A_337 = tpu.memref_slice %arg2[%multiple_of3A, %dma_start3A_336] : memref<16640x128xi32, #tpu.memory_space<hbm>> -> memref<32x128xi32, #tpu.memory_space<hbm>>
          %dma_start3A_338 = arith.constant 0 : i32
          %dma_start3A_339 = tpu.memref_slice %arg2[%multiple_of3A, %dma_start3A_338] : memref<16640x128xi32, #tpu.memory_space<hbm>> -> memref<32x128xi32, #tpu.memory_space<hbm>>
          tpu.enqueue_dma source(%dma_start3A_339 : memref<32x128xi32, #tpu.memory_space<hbm>>) target(%arg5 : memref<32x128xi32, #tpu.memory_space<vmem>>) target_semaphore(%run_scoped3A : memref<!tpu.dma_semaphore, #tpu.memory_space<semaphore_mem>>)
          %dma_wait3A_340 = arith.constant 0 : i32
          %dma_wait3A_341 = tpu.memref_slice %arg2[%multiple_of3A, %dma_wait3A_340] : memref<16640x128xi32, #tpu.memory_space<hbm>> -> memref<32x128xi32, #tpu.memory_space<hbm>>
          %dma_wait3A_342 = arith.constant 0 : i32
          %dma_wait3A_343 = tpu.memref_slice %arg2[%multiple_of3A, %dma_wait3A_342] : memref<16640x128xi32, #tpu.memory_space<hbm>> -> memref<32x128xi32, #tpu.memory_space<hbm>>
          tpu.wait_dma2 semaphore(%run_scoped3A : memref<!tpu.dma_semaphore, #tpu.memory_space<semaphore_mem>>) src(%dma_wait3A_343 : memref<32x128xi32, #tpu.memory_space<hbm>>) dst(%arg5 : memref<32x128xi32, #tpu.memory_space<vmem>>)
          tpu.yield
        }) : () -> ()
      } else {
      }
      %jit3A_72 = arith.constant 8 : i32
      %eq3A_73 = arith.constant 0 : i32
      %eq3A_74 = arith.cmpi eq, %jit3A_72, %eq3A_73 : i32
      %jit3A_75 = arith.constant 1 : i32
      %select_n3A_76 = arith.select %eq3A_74, %jit3A_75, %jit3A_72 : i32
      %rem3A_77 = arith.remsi %scan3A_59, %select_n3A_76 : i32
      %ne3A_78 = arith.constant 0 : i32
      %ne3A_79 = arith.cmpi ne, %rem3A_77, %ne3A_78 : i32
      %lt3A_80 = arith.constant 0 : i32
      %lt3A_81 = arith.cmpi slt, %rem3A_77, %lt3A_80 : i32
      %lt3A_82 = arith.constant 0 : i32
      %lt3A_83 = arith.cmpi slt, %select_n3A_76, %lt3A_82 : i32
      %ne3A_84 = arith.xori %lt3A_81, %lt3A_83 : i1
      %and3A_85 = arith.andi %ne3A_84, %ne3A_79 : i1
      %add3A_86 = arith.addi %rem3A_77, %select_n3A_76 : i32
      %select_n3A_87 = arith.select %and3A_85, %add3A_86, %rem3A_77 : i32
      %mul3A_88 = arith.constant 4 : i32
      %mul3A_89 = arith.muli %select_n3A_87, %mul3A_88 : i32
      %mul3A_90 = arith.constant 4 : i32
      %mul3A_91 = arith.muli %scan3A_59, %mul3A_90 : i32
      %add3A_92 = arith.constant 0 : i32
      %add3A_93 = arith.addi %mul3A_91, %add3A_92 : i32
      %mul3A_94 = arith.constant 128 : i32
      %mul3A_95 = arith.muli %add3A_93, %mul3A_94 : i32
      %add3A_96 = arith.addi %mul3A_2, %mul3A_95 : i32
      %gt3A = arith.constant 0 : i32
      %gt3A_97 = arith.cmpi sgt, %scan3A_59, %gt3A : i32
      %convert_element_type3A_98 = arith.extui %gt3A_97 : i1 to i32
      %cond3A_99 = arith.constant 0 : i32
      %cond3A_100 = arith.cmpi ne, %convert_element_type3A_98, %cond3A_99 : i32
      scf.if %cond3A_100 {
        %dma_wait3A_312 = arith.constant 0 : i32
        %dma_wait3A_313 = arith.constant 0 : i32
        %dma_wait3A_314 = arith.constant 0 : i32
        %dma_wait3A_315 = tpu.memref_slice %arg6[%dma_wait3A_312, %dma_wait3A_313, %dma_wait3A_314] : memref<4x128x128xf32, #tpu.memory_space<vmem>> -> memref<1x128x128xf32, #tpu.memory_space<vmem>>
        %dma_wait3A_316 = tpu.memref_squeeze %dma_wait3A_315 : memref<1x128x128xf32, #tpu.memory_space<vmem>> -> memref<128x128xf32, #tpu.memory_space<vmem>>
        %dma_wait3A_317 = arith.constant 0 : i32
        %dma_wait3A_318 = tpu.memref_slice %arg4[%add3A_96, %dma_wait3A_317] : memref<2129920x128xf32, #tpu.memory_space<hbm>> -> memref<128x128xf32, #tpu.memory_space<hbm>>
        %dma_wait3A_319 = arith.constant 0 : i32
        %dma_wait3A_320 = tpu.memref_slice %arg4[%add3A_96, %dma_wait3A_319] : memref<2129920x128xf32, #tpu.memory_space<hbm>> -> memref<128x128xf32, #tpu.memory_space<hbm>>
        %dma_wait3A_321 = arith.constant 0 : i32
        %dma_wait3A_322 = arith.constant 0 : i32
        %dma_wait3A_323 = tpu.memref_slice %arg6[%dma_wait3A_312, %dma_wait3A_321, %dma_wait3A_322] : memref<4x128x128xf32, #tpu.memory_space<vmem>> -> memref<1x128x128xf32, #tpu.memory_space<vmem>>
        %dma_wait3A_324 = tpu.memref_squeeze %dma_wait3A_323 : memref<1x128x128xf32, #tpu.memory_space<vmem>> -> memref<128x128xf32, #tpu.memory_space<vmem>>
        tpu.wait_dma2 semaphore(%arg11 : memref<!tpu.dma_semaphore, #tpu.memory_space<semaphore_mem>>) src(%dma_wait3A_324 : memref<128x128xf32, #tpu.memory_space<vmem>>) dst(%dma_wait3A_320 : memref<128x128xf32, #tpu.memory_space<hbm>>)
      } else {
      }
      %add3A_101 = arith.constant 0 : i32
      %add3A_102 = arith.addi %mul3A_89, %add3A_101 : i32
      %dma_start3A = arith.constant 0 : i32
      %dma_start3A_103 = arith.constant 0 : i32
      %dma_start3A_104 = arith.constant 0 : i32
      %dma_start3A_105 = tpu.memref_slice %arg6[%dma_start3A, %dma_start3A_103, %dma_start3A_104] : memref<4x128x128xf32, #tpu.memory_space<vmem>> -> memref<1x128x128xf32, #tpu.memory_space<vmem>>
      %dma_start3A_106 = tpu.memref_squeeze %dma_start3A_105 : memref<1x128x128xf32, #tpu.memory_space<vmem>> -> memref<128x128xf32, #tpu.memory_space<vmem>>
      %dma_start3A_107 = arith.constant 0 : i32
      %dma_start3A_108 = tpu.memref_slice %arg5[%add3A_102, %dma_start3A_107] : memref<32x128xi32, #tpu.memory_space<vmem>> -> memref<1x128xi32, #tpu.memory_space<vmem>>
      %dma_start3A_109 = tpu.memref_squeeze %dma_start3A_108 : memref<1x128xi32, #tpu.memory_space<vmem>> -> memref<128xi32, #tpu.memory_space<vmem>>
      %dma_start3A_110 = arith.constant 0 : i32
      %dma_start3A_111 = arith.constant 0 : i32
      %dma_start3A_112 = tpu.memref_slice %arg3[%dma_start3A_110, %dma_start3A_111] : memref<26000x128xf32, #tpu.memory_space<hbm>> -> memref<26000x128xf32, #tpu.memory_space<hbm>>
      tpu.enqueue_indirect_dma source(%dma_start3A_112 : memref<26000x128xf32, #tpu.memory_space<hbm>>) target(%dma_start3A_106 : memref<128x128xf32, #tpu.memory_space<vmem>>) offsets(%dma_start3A_109 : memref<128xi32, #tpu.memory_space<vmem>>) semaphore(%arg7 : memref<!tpu.dma_semaphore, #tpu.memory_space<semaphore_mem>>)
      %mul3A_113 = arith.constant 4 : i32
      %mul3A_114 = arith.muli %scan3A_59, %mul3A_113 : i32
      %add3A_115 = arith.constant 1 : i32
      %add3A_116 = arith.addi %mul3A_114, %add3A_115 : i32
      %mul3A_117 = arith.constant 128 : i32
      %mul3A_118 = arith.muli %add3A_116, %mul3A_117 : i32
      %add3A_119 = arith.addi %mul3A_2, %mul3A_118 : i32
      %gt3A_120 = arith.constant 0 : i32
      %gt3A_121 = arith.cmpi sgt, %scan3A_59, %gt3A_120 : i32
      %convert_element_type3A_122 = arith.extui %gt3A_121 : i1 to i32
      %cond3A_123 = arith.constant 0 : i32
      %cond3A_124 = arith.cmpi ne, %convert_element_type3A_122, %cond3A_123 : i32
      scf.if %cond3A_124 {
        %dma_wait3A_312 = arith.constant 1 : i32
        %dma_wait3A_313 = arith.constant 0 : i32
        %dma_wait3A_314 = arith.constant 0 : i32
        %dma_wait3A_315 = tpu.memref_slice %arg6[%dma_wait3A_312, %dma_wait3A_313, %dma_wait3A_314] : memref<4x128x128xf32, #tpu.memory_space<vmem>> -> memref<1x128x128xf32, #tpu.memory_space<vmem>>
        %dma_wait3A_316 = tpu.memref_squeeze %dma_wait3A_315 : memref<1x128x128xf32, #tpu.memory_space<vmem>> -> memref<128x128xf32, #tpu.memory_space<vmem>>
        %dma_wait3A_317 = arith.constant 0 : i32
        %dma_wait3A_318 = tpu.memref_slice %arg4[%add3A_119, %dma_wait3A_317] : memref<2129920x128xf32, #tpu.memory_space<hbm>> -> memref<128x128xf32, #tpu.memory_space<hbm>>
        %dma_wait3A_319 = arith.constant 0 : i32
        %dma_wait3A_320 = tpu.memref_slice %arg4[%add3A_119, %dma_wait3A_319] : memref<2129920x128xf32, #tpu.memory_space<hbm>> -> memref<128x128xf32, #tpu.memory_space<hbm>>
        %dma_wait3A_321 = arith.constant 0 : i32
        %dma_wait3A_322 = arith.constant 0 : i32
        %dma_wait3A_323 = tpu.memref_slice %arg6[%dma_wait3A_312, %dma_wait3A_321, %dma_wait3A_322] : memref<4x128x128xf32, #tpu.memory_space<vmem>> -> memref<1x128x128xf32, #tpu.memory_space<vmem>>
        %dma_wait3A_324 = tpu.memref_squeeze %dma_wait3A_323 : memref<1x128x128xf32, #tpu.memory_space<vmem>> -> memref<128x128xf32, #tpu.memory_space<vmem>>
        tpu.wait_dma2 semaphore(%arg12 : memref<!tpu.dma_semaphore, #tpu.memory_space<semaphore_mem>>) src(%dma_wait3A_324 : memref<128x128xf32, #tpu.memory_space<vmem>>) dst(%dma_wait3A_320 : memref<128x128xf32, #tpu.memory_space<hbm>>)
      } else {
      }
      %add3A_125 = arith.constant 1 : i32
      %add3A_126 = arith.addi %mul3A_89, %add3A_125 : i32
      %dma_start3A_127 = arith.constant 1 : i32
      %dma_start3A_128 = arith.constant 0 : i32
      %dma_start3A_129 = arith.constant 0 : i32
      %dma_start3A_130 = tpu.memref_slice %arg6[%dma_start3A_127, %dma_start3A_128, %dma_start3A_129] : memref<4x128x128xf32, #tpu.memory_space<vmem>> -> memref<1x128x128xf32, #tpu.memory_space<vmem>>
      %dma_start3A_131 = tpu.memref_squeeze %dma_start3A_130 : memref<1x128x128xf32, #tpu.memory_space<vmem>> -> memref<128x128xf32, #tpu.memory_space<vmem>>
      %dma_start3A_132 = arith.constant 0 : i32
      %dma_start3A_133 = tpu.memref_slice %arg5[%add3A_126, %dma_start3A_132] : memref<32x128xi32, #tpu.memory_space<vmem>> -> memref<1x128xi32, #tpu.memory_space<vmem>>
      %dma_start3A_134 = tpu.memref_squeeze %dma_start3A_133 : memref<1x128xi32, #tpu.memory_space<vmem>> -> memref<128xi32, #tpu.memory_space<vmem>>
      %dma_start3A_135 = arith.constant 0 : i32
      %dma_start3A_136 = arith.constant 0 : i32
      %dma_start3A_137 = tpu.memref_slice %arg3[%dma_start3A_135, %dma_start3A_136] : memref<26000x128xf32, #tpu.memory_space<hbm>> -> memref<26000x128xf32, #tpu.memory_space<hbm>>
      tpu.enqueue_indirect_dma source(%dma_start3A_137 : memref<26000x128xf32, #tpu.memory_space<hbm>>) target(%dma_start3A_131 : memref<128x128xf32, #tpu.memory_space<vmem>>) offsets(%dma_start3A_134 : memref<128xi32, #tpu.memory_space<vmem>>) semaphore(%arg8 : memref<!tpu.dma_semaphore, #tpu.memory_space<semaphore_mem>>)
      %mul3A_138 = arith.constant 4 : i32
      %mul3A_139 = arith.muli %scan3A_59, %mul3A_138 : i32
      %add3A_140 = arith.constant 2 : i32
      %add3A_141 = arith.addi %mul3A_139, %add3A_140 : i32
      %mul3A_142 = arith.constant 128 : i32
      %mul3A_143 = arith.muli %add3A_141, %mul3A_142 : i32
      %add3A_144 = arith.addi %mul3A_2, %mul3A_143 : i32
      %gt3A_145 = arith.constant 0 : i32
      %gt3A_146 = arith.cmpi sgt, %scan3A_59, %gt3A_145 : i32
      %convert_element_type3A_147 = arith.extui %gt3A_146 : i1 to i32
      %cond3A_148 = arith.constant 0 : i32
      %cond3A_149 = arith.cmpi ne, %convert_element_type3A_147, %cond3A_148 : i32
      scf.if %cond3A_149 {
        %dma_wait3A_312 = arith.constant 2 : i32
        %dma_wait3A_313 = arith.constant 0 : i32
        %dma_wait3A_314 = arith.constant 0 : i32
        %dma_wait3A_315 = tpu.memref_slice %arg6[%dma_wait3A_312, %dma_wait3A_313, %dma_wait3A_314] : memref<4x128x128xf32, #tpu.memory_space<vmem>> -> memref<1x128x128xf32, #tpu.memory_space<vmem>>
        %dma_wait3A_316 = tpu.memref_squeeze %dma_wait3A_315 : memref<1x128x128xf32, #tpu.memory_space<vmem>> -> memref<128x128xf32, #tpu.memory_space<vmem>>
        %dma_wait3A_317 = arith.constant 0 : i32
        %dma_wait3A_318 = tpu.memref_slice %arg4[%add3A_144, %dma_wait3A_317] : memref<2129920x128xf32, #tpu.memory_space<hbm>> -> memref<128x128xf32, #tpu.memory_space<hbm>>
        %dma_wait3A_319 = arith.constant 0 : i32
        %dma_wait3A_320 = tpu.memref_slice %arg4[%add3A_144, %dma_wait3A_319] : memref<2129920x128xf32, #tpu.memory_space<hbm>> -> memref<128x128xf32, #tpu.memory_space<hbm>>
        %dma_wait3A_321 = arith.constant 0 : i32
        %dma_wait3A_322 = arith.constant 0 : i32
        %dma_wait3A_323 = tpu.memref_slice %arg6[%dma_wait3A_312, %dma_wait3A_321, %dma_wait3A_322] : memref<4x128x128xf32, #tpu.memory_space<vmem>> -> memref<1x128x128xf32, #tpu.memory_space<vmem>>
        %dma_wait3A_324 = tpu.memref_squeeze %dma_wait3A_323 : memref<1x128x128xf32, #tpu.memory_space<vmem>> -> memref<128x128xf32, #tpu.memory_space<vmem>>
        tpu.wait_dma2 semaphore(%arg13 : memref<!tpu.dma_semaphore, #tpu.memory_space<semaphore_mem>>) src(%dma_wait3A_324 : memref<128x128xf32, #tpu.memory_space<vmem>>) dst(%dma_wait3A_320 : memref<128x128xf32, #tpu.memory_space<hbm>>)
      } else {
      }
      %add3A_150 = arith.constant 2 : i32
      %add3A_151 = arith.addi %mul3A_89, %add3A_150 : i32
      %dma_start3A_152 = arith.constant 2 : i32
      %dma_start3A_153 = arith.constant 0 : i32
      %dma_start3A_154 = arith.constant 0 : i32
      %dma_start3A_155 = tpu.memref_slice %arg6[%dma_start3A_152, %dma_start3A_153, %dma_start3A_154] : memref<4x128x128xf32, #tpu.memory_space<vmem>> -> memref<1x128x128xf32, #tpu.memory_space<vmem>>
      %dma_start3A_156 = tpu.memref_squeeze %dma_start3A_155 : memref<1x128x128xf32, #tpu.memory_space<vmem>> -> memref<128x128xf32, #tpu.memory_space<vmem>>
      %dma_start3A_157 = arith.constant 0 : i32
      %dma_start3A_158 = tpu.memref_slice %arg5[%add3A_151, %dma_start3A_157] : memref<32x128xi32, #tpu.memory_space<vmem>> -> memref<1x128xi32, #tpu.memory_space<vmem>>
      %dma_start3A_159 = tpu.memref_squeeze %dma_start3A_158 : memref<1x128xi32, #tpu.memory_space<vmem>> -> memref<128xi32, #tpu.memory_space<vmem>>
      %dma_start3A_160 = arith.constant 0 : i32
      %dma_start3A_161 = arith.constant 0 : i32
      %dma_start3A_162 = tpu.memref_slice %arg3[%dma_start3A_160, %dma_start3A_161] : memref<26000x128xf32, #tpu.memory_space<hbm>> -> memref<26000x128xf32, #tpu.memory_space<hbm>>
      tpu.enqueue_indirect_dma source(%dma_start3A_162 : memref<26000x128xf32, #tpu.memory_space<hbm>>) target(%dma_start3A_156 : memref<128x128xf32, #tpu.memory_space<vmem>>) offsets(%dma_start3A_159 : memref<128xi32, #tpu.memory_space<vmem>>) semaphore(%arg9 : memref<!tpu.dma_semaphore, #tpu.memory_space<semaphore_mem>>)
      %mul3A_163 = arith.constant 4 : i32
      %mul3A_164 = arith.muli %scan3A_59, %mul3A_163 : i32
      %add3A_165 = arith.constant 3 : i32
      %add3A_166 = arith.addi %mul3A_164, %add3A_165 : i32
      %mul3A_167 = arith.constant 128 : i32
      %mul3A_168 = arith.muli %add3A_166, %mul3A_167 : i32
      %add3A_169 = arith.addi %mul3A_2, %mul3A_168 : i32
      %gt3A_170 = arith.constant 0 : i32
      %gt3A_171 = arith.cmpi sgt, %scan3A_59, %gt3A_170 : i32
      %convert_element_type3A_172 = arith.extui %gt3A_171 : i1 to i32
      %cond3A_173 = arith.constant 0 : i32
      %cond3A_174 = arith.cmpi ne, %convert_element_type3A_172, %cond3A_173 : i32
      scf.if %cond3A_174 {
        %dma_wait3A_312 = arith.constant 3 : i32
        %dma_wait3A_313 = arith.constant 0 : i32
        %dma_wait3A_314 = arith.constant 0 : i32
        %dma_wait3A_315 = tpu.memref_slice %arg6[%dma_wait3A_312, %dma_wait3A_313, %dma_wait3A_314] : memref<4x128x128xf32, #tpu.memory_space<vmem>> -> memref<1x128x128xf32, #tpu.memory_space<vmem>>
        %dma_wait3A_316 = tpu.memref_squeeze %dma_wait3A_315 : memref<1x128x128xf32, #tpu.memory_space<vmem>> -> memref<128x128xf32, #tpu.memory_space<vmem>>
        %dma_wait3A_317 = arith.constant 0 : i32
        %dma_wait3A_318 = tpu.memref_slice %arg4[%add3A_169, %dma_wait3A_317] : memref<2129920x128xf32, #tpu.memory_space<hbm>> -> memref<128x128xf32, #tpu.memory_space<hbm>>
        %dma_wait3A_319 = arith.constant 0 : i32
        %dma_wait3A_320 = tpu.memref_slice %arg4[%add3A_169, %dma_wait3A_319] : memref<2129920x128xf32, #tpu.memory_space<hbm>> -> memref<128x128xf32, #tpu.memory_space<hbm>>
        %dma_wait3A_321 = arith.constant 0 : i32
        %dma_wait3A_322 = arith.constant 0 : i32
        %dma_wait3A_323 = tpu.memref_slice %arg6[%dma_wait3A_312, %dma_wait3A_321, %dma_wait3A_322] : memref<4x128x128xf32, #tpu.memory_space<vmem>> -> memref<1x128x128xf32, #tpu.memory_space<vmem>>
        %dma_wait3A_324 = tpu.memref_squeeze %dma_wait3A_323 : memref<1x128x128xf32, #tpu.memory_space<vmem>> -> memref<128x128xf32, #tpu.memory_space<vmem>>
        tpu.wait_dma2 semaphore(%arg14 : memref<!tpu.dma_semaphore, #tpu.memory_space<semaphore_mem>>) src(%dma_wait3A_324 : memref<128x128xf32, #tpu.memory_space<vmem>>) dst(%dma_wait3A_320 : memref<128x128xf32, #tpu.memory_space<hbm>>)
      } else {
      }
      %add3A_175 = arith.constant 3 : i32
      %add3A_176 = arith.addi %mul3A_89, %add3A_175 : i32
      %dma_start3A_177 = arith.constant 3 : i32
      %dma_start3A_178 = arith.constant 0 : i32
      %dma_start3A_179 = arith.constant 0 : i32
      %dma_start3A_180 = tpu.memref_slice %arg6[%dma_start3A_177, %dma_start3A_178, %dma_start3A_179] : memref<4x128x128xf32, #tpu.memory_space<vmem>> -> memref<1x128x128xf32, #tpu.memory_space<vmem>>
      %dma_start3A_181 = tpu.memref_squeeze %dma_start3A_180 : memref<1x128x128xf32, #tpu.memory_space<vmem>> -> memref<128x128xf32, #tpu.memory_space<vmem>>
      %dma_start3A_182 = arith.constant 0 : i32
      %dma_start3A_183 = tpu.memref_slice %arg5[%add3A_176, %dma_start3A_182] : memref<32x128xi32, #tpu.memory_space<vmem>> -> memref<1x128xi32, #tpu.memory_space<vmem>>
      %dma_start3A_184 = tpu.memref_squeeze %dma_start3A_183 : memref<1x128xi32, #tpu.memory_space<vmem>> -> memref<128xi32, #tpu.memory_space<vmem>>
      %dma_start3A_185 = arith.constant 0 : i32
      %dma_start3A_186 = arith.constant 0 : i32
      %dma_start3A_187 = tpu.memref_slice %arg3[%dma_start3A_185, %dma_start3A_186] : memref<26000x128xf32, #tpu.memory_space<hbm>> -> memref<26000x128xf32, #tpu.memory_space<hbm>>
      tpu.enqueue_indirect_dma source(%dma_start3A_187 : memref<26000x128xf32, #tpu.memory_space<hbm>>) target(%dma_start3A_181 : memref<128x128xf32, #tpu.memory_space<vmem>>) offsets(%dma_start3A_184 : memref<128xi32, #tpu.memory_space<vmem>>) semaphore(%arg10 : memref<!tpu.dma_semaphore, #tpu.memory_space<semaphore_mem>>)
      %mul3A_188 = arith.constant 4 : i32
      %mul3A_189 = arith.muli %scan3A_59, %mul3A_188 : i32
      %add3A_190 = arith.constant 0 : i32
      %add3A_191 = arith.addi %mul3A_189, %add3A_190 : i32
      %mul3A_192 = arith.constant 128 : i32
      %mul3A_193 = arith.muli %add3A_191, %mul3A_192 : i32
      %add3A_194 = arith.addi %mul3A_2, %mul3A_193 : i32
      %dma_wait3A_195 = arith.constant 0 : i32
      %dma_wait3A_196 = arith.constant 0 : i32
      %dma_wait3A_197 = arith.constant 0 : i32
      %dma_wait3A_198 = tpu.memref_slice %arg6[%dma_wait3A_195, %dma_wait3A_196, %dma_wait3A_197] : memref<4x128x128xf32, #tpu.memory_space<vmem>> -> memref<1x128x128xf32, #tpu.memory_space<vmem>>
      %dma_wait3A_199 = tpu.memref_squeeze %dma_wait3A_198 : memref<1x128x128xf32, #tpu.memory_space<vmem>> -> memref<128x128xf32, #tpu.memory_space<vmem>>
      %dma_wait3A_200 = arith.constant 0 : i32
      %dma_wait3A_201 = tpu.memref_slice %arg5[%add3A_102, %dma_wait3A_200] : memref<32x128xi32, #tpu.memory_space<vmem>> -> memref<1x128xi32, #tpu.memory_space<vmem>>
      %dma_wait3A_202 = tpu.memref_squeeze %dma_wait3A_201 : memref<1x128xi32, #tpu.memory_space<vmem>> -> memref<128xi32, #tpu.memory_space<vmem>>
      %dma_wait3A_203 = arith.constant 0 : i32
      %dma_wait3A_204 = arith.constant 0 : i32
      %dma_wait3A_205 = tpu.memref_slice %arg3[%dma_wait3A_203, %dma_wait3A_204] : memref<26000x128xf32, #tpu.memory_space<hbm>> -> memref<26000x128xf32, #tpu.memory_space<hbm>>
      tpu.wait_indirect_dma semaphore(%arg7 : memref<!tpu.dma_semaphore, #tpu.memory_space<semaphore_mem>>) src(%dma_wait3A_205 : memref<26000x128xf32, #tpu.memory_space<hbm>>) dst(%dma_wait3A_199 : memref<128x128xf32, #tpu.memory_space<vmem>>)
      %dma_start3A_206 = arith.constant 0 : i32
      %dma_start3A_207 = arith.constant 0 : i32
      %dma_start3A_208 = arith.constant 0 : i32
      %dma_start3A_209 = tpu.memref_slice %arg6[%dma_start3A_206, %dma_start3A_207, %dma_start3A_208] : memref<4x128x128xf32, #tpu.memory_space<vmem>> -> memref<1x128x128xf32, #tpu.memory_space<vmem>>
      %dma_start3A_210 = tpu.memref_squeeze %dma_start3A_209 : memref<1x128x128xf32, #tpu.memory_space<vmem>> -> memref<128x128xf32, #tpu.memory_space<vmem>>
      %dma_start3A_211 = arith.constant 0 : i32
      %dma_start3A_212 = tpu.memref_slice %arg4[%add3A_194, %dma_start3A_211] : memref<2129920x128xf32, #tpu.memory_space<hbm>> -> memref<128x128xf32, #tpu.memory_space<hbm>>
      %dma_start3A_213 = arith.constant 0 : i32
      %dma_start3A_214 = tpu.memref_slice %arg4[%add3A_194, %dma_start3A_213] : memref<2129920x128xf32, #tpu.memory_space<hbm>> -> memref<128x128xf32, #tpu.memory_space<hbm>>
      %dma_start3A_215 = arith.constant 0 : i32
      %dma_start3A_216 = arith.constant 0 : i32
      %dma_start3A_217 = tpu.memref_slice %arg6[%dma_start3A_206, %dma_start3A_215, %dma_start3A_216] : memref<4x128x128xf32, #tpu.memory_space<vmem>> -> memref<1x128x128xf32, #tpu.memory_space<vmem>>
      %dma_start3A_218 = tpu.memref_squeeze %dma_start3A_217 : memref<1x128x128xf32, #tpu.memory_space<vmem>> -> memref<128x128xf32, #tpu.memory_space<vmem>>
      tpu.enqueue_dma source(%dma_start3A_218 : memref<128x128xf32, #tpu.memory_space<vmem>>) target(%dma_start3A_214 : memref<128x128xf32, #tpu.memory_space<hbm>>) target_semaphore(%arg11 : memref<!tpu.dma_semaphore, #tpu.memory_space<semaphore_mem>>)
      %mul3A_219 = arith.constant 4 : i32
      %mul3A_220 = arith.muli %scan3A_59, %mul3A_219 : i32
      %add3A_221 = arith.constant 1 : i32
      %add3A_222 = arith.addi %mul3A_220, %add3A_221 : i32
      %mul3A_223 = arith.constant 128 : i32
      %mul3A_224 = arith.muli %add3A_222, %mul3A_223 : i32
      %add3A_225 = arith.addi %mul3A_2, %mul3A_224 : i32
      %dma_wait3A_226 = arith.constant 1 : i32
      %dma_wait3A_227 = arith.constant 0 : i32
      %dma_wait3A_228 = arith.constant 0 : i32
      %dma_wait3A_229 = tpu.memref_slice %arg6[%dma_wait3A_226, %dma_wait3A_227, %dma_wait3A_228] : memref<4x128x128xf32, #tpu.memory_space<vmem>> -> memref<1x128x128xf32, #tpu.memory_space<vmem>>
      %dma_wait3A_230 = tpu.memref_squeeze %dma_wait3A_229 : memref<1x128x128xf32, #tpu.memory_space<vmem>> -> memref<128x128xf32, #tpu.memory_space<vmem>>
      %dma_wait3A_231 = arith.constant 0 : i32
      %dma_wait3A_232 = tpu.memref_slice %arg5[%add3A_126, %dma_wait3A_231] : memref<32x128xi32, #tpu.memory_space<vmem>> -> memref<1x128xi32, #tpu.memory_space<vmem>>
      %dma_wait3A_233 = tpu.memref_squeeze %dma_wait3A_232 : memref<1x128xi32, #tpu.memory_space<vmem>> -> memref<128xi32, #tpu.memory_space<vmem>>
      %dma_wait3A_234 = arith.constant 0 : i32
      %dma_wait3A_235 = arith.constant 0 : i32
      %dma_wait3A_236 = tpu.memref_slice %arg3[%dma_wait3A_234, %dma_wait3A_235] : memref<26000x128xf32, #tpu.memory_space<hbm>> -> memref<26000x128xf32, #tpu.memory_space<hbm>>
      tpu.wait_indirect_dma semaphore(%arg8 : memref<!tpu.dma_semaphore, #tpu.memory_space<semaphore_mem>>) src(%dma_wait3A_236 : memref<26000x128xf32, #tpu.memory_space<hbm>>) dst(%dma_wait3A_230 : memref<128x128xf32, #tpu.memory_space<vmem>>)
      %dma_start3A_237 = arith.constant 1 : i32
      %dma_start3A_238 = arith.constant 0 : i32
      %dma_start3A_239 = arith.constant 0 : i32
      %dma_start3A_240 = tpu.memref_slice %arg6[%dma_start3A_237, %dma_start3A_238, %dma_start3A_239] : memref<4x128x128xf32, #tpu.memory_space<vmem>> -> memref<1x128x128xf32, #tpu.memory_space<vmem>>
      %dma_start3A_241 = tpu.memref_squeeze %dma_start3A_240 : memref<1x128x128xf32, #tpu.memory_space<vmem>> -> memref<128x128xf32, #tpu.memory_space<vmem>>
      %dma_start3A_242 = arith.constant 0 : i32
      %dma_start3A_243 = tpu.memref_slice %arg4[%add3A_225, %dma_start3A_242] : memref<2129920x128xf32, #tpu.memory_space<hbm>> -> memref<128x128xf32, #tpu.memory_space<hbm>>
      %dma_start3A_244 = arith.constant 0 : i32
      %dma_start3A_245 = tpu.memref_slice %arg4[%add3A_225, %dma_start3A_244] : memref<2129920x128xf32, #tpu.memory_space<hbm>> -> memref<128x128xf32, #tpu.memory_space<hbm>>
      %dma_start3A_246 = arith.constant 0 : i32
      %dma_start3A_247 = arith.constant 0 : i32
      %dma_start3A_248 = tpu.memref_slice %arg6[%dma_start3A_237, %dma_start3A_246, %dma_start3A_247] : memref<4x128x128xf32, #tpu.memory_space<vmem>> -> memref<1x128x128xf32, #tpu.memory_space<vmem>>
      %dma_start3A_249 = tpu.memref_squeeze %dma_start3A_248 : memref<1x128x128xf32, #tpu.memory_space<vmem>> -> memref<128x128xf32, #tpu.memory_space<vmem>>
      tpu.enqueue_dma source(%dma_start3A_249 : memref<128x128xf32, #tpu.memory_space<vmem>>) target(%dma_start3A_245 : memref<128x128xf32, #tpu.memory_space<hbm>>) target_semaphore(%arg12 : memref<!tpu.dma_semaphore, #tpu.memory_space<semaphore_mem>>)
      %mul3A_250 = arith.constant 4 : i32
      %mul3A_251 = arith.muli %scan3A_59, %mul3A_250 : i32
      %add3A_252 = arith.constant 2 : i32
      %add3A_253 = arith.addi %mul3A_251, %add3A_252 : i32
      %mul3A_254 = arith.constant 128 : i32
      %mul3A_255 = arith.muli %add3A_253, %mul3A_254 : i32
      %add3A_256 = arith.addi %mul3A_2, %mul3A_255 : i32
      %dma_wait3A_257 = arith.constant 2 : i32
      %dma_wait3A_258 = arith.constant 0 : i32
      %dma_wait3A_259 = arith.constant 0 : i32
      %dma_wait3A_260 = tpu.memref_slice %arg6[%dma_wait3A_257, %dma_wait3A_258, %dma_wait3A_259] : memref<4x128x128xf32, #tpu.memory_space<vmem>> -> memref<1x128x128xf32, #tpu.memory_space<vmem>>
      %dma_wait3A_261 = tpu.memref_squeeze %dma_wait3A_260 : memref<1x128x128xf32, #tpu.memory_space<vmem>> -> memref<128x128xf32, #tpu.memory_space<vmem>>
      %dma_wait3A_262 = arith.constant 0 : i32
      %dma_wait3A_263 = tpu.memref_slice %arg5[%add3A_151, %dma_wait3A_262] : memref<32x128xi32, #tpu.memory_space<vmem>> -> memref<1x128xi32, #tpu.memory_space<vmem>>
      %dma_wait3A_264 = tpu.memref_squeeze %dma_wait3A_263 : memref<1x128xi32, #tpu.memory_space<vmem>> -> memref<128xi32, #tpu.memory_space<vmem>>
      %dma_wait3A_265 = arith.constant 0 : i32
      %dma_wait3A_266 = arith.constant 0 : i32
      %dma_wait3A_267 = tpu.memref_slice %arg3[%dma_wait3A_265, %dma_wait3A_266] : memref<26000x128xf32, #tpu.memory_space<hbm>> -> memref<26000x128xf32, #tpu.memory_space<hbm>>
      tpu.wait_indirect_dma semaphore(%arg9 : memref<!tpu.dma_semaphore, #tpu.memory_space<semaphore_mem>>) src(%dma_wait3A_267 : memref<26000x128xf32, #tpu.memory_space<hbm>>) dst(%dma_wait3A_261 : memref<128x128xf32, #tpu.memory_space<vmem>>)
      %dma_start3A_268 = arith.constant 2 : i32
      %dma_start3A_269 = arith.constant 0 : i32
      %dma_start3A_270 = arith.constant 0 : i32
      %dma_start3A_271 = tpu.memref_slice %arg6[%dma_start3A_268, %dma_start3A_269, %dma_start3A_270] : memref<4x128x128xf32, #tpu.memory_space<vmem>> -> memref<1x128x128xf32, #tpu.memory_space<vmem>>
      %dma_start3A_272 = tpu.memref_squeeze %dma_start3A_271 : memref<1x128x128xf32, #tpu.memory_space<vmem>> -> memref<128x128xf32, #tpu.memory_space<vmem>>
      %dma_start3A_273 = arith.constant 0 : i32
      %dma_start3A_274 = tpu.memref_slice %arg4[%add3A_256, %dma_start3A_273] : memref<2129920x128xf32, #tpu.memory_space<hbm>> -> memref<128x128xf32, #tpu.memory_space<hbm>>
      %dma_start3A_275 = arith.constant 0 : i32
      %dma_start3A_276 = tpu.memref_slice %arg4[%add3A_256, %dma_start3A_275] : memref<2129920x128xf32, #tpu.memory_space<hbm>> -> memref<128x128xf32, #tpu.memory_space<hbm>>
      %dma_start3A_277 = arith.constant 0 : i32
      %dma_start3A_278 = arith.constant 0 : i32
      %dma_start3A_279 = tpu.memref_slice %arg6[%dma_start3A_268, %dma_start3A_277, %dma_start3A_278] : memref<4x128x128xf32, #tpu.memory_space<vmem>> -> memref<1x128x128xf32, #tpu.memory_space<vmem>>
      %dma_start3A_280 = tpu.memref_squeeze %dma_start3A_279 : memref<1x128x128xf32, #tpu.memory_space<vmem>> -> memref<128x128xf32, #tpu.memory_space<vmem>>
      tpu.enqueue_dma source(%dma_start3A_280 : memref<128x128xf32, #tpu.memory_space<vmem>>) target(%dma_start3A_276 : memref<128x128xf32, #tpu.memory_space<hbm>>) target_semaphore(%arg13 : memref<!tpu.dma_semaphore, #tpu.memory_space<semaphore_mem>>)
      %mul3A_281 = arith.constant 4 : i32
      %mul3A_282 = arith.muli %scan3A_59, %mul3A_281 : i32
      %add3A_283 = arith.constant 3 : i32
      %add3A_284 = arith.addi %mul3A_282, %add3A_283 : i32
      %mul3A_285 = arith.constant 128 : i32
      %mul3A_286 = arith.muli %add3A_284, %mul3A_285 : i32
      %add3A_287 = arith.addi %mul3A_2, %mul3A_286 : i32
      %dma_wait3A_288 = arith.constant 3 : i32
      %dma_wait3A_289 = arith.constant 0 : i32
      %dma_wait3A_290 = arith.constant 0 : i32
      %dma_wait3A_291 = tpu.memref_slice %arg6[%dma_wait3A_288, %dma_wait3A_289, %dma_wait3A_290] : memref<4x128x128xf32, #tpu.memory_space<vmem>> -> memref<1x128x128xf32, #tpu.memory_space<vmem>>
      %dma_wait3A_292 = tpu.memref_squeeze %dma_wait3A_291 : memref<1x128x128xf32, #tpu.memory_space<vmem>> -> memref<128x128xf32, #tpu.memory_space<vmem>>
      %dma_wait3A_293 = arith.constant 0 : i32
      %dma_wait3A_294 = tpu.memref_slice %arg5[%add3A_176, %dma_wait3A_293] : memref<32x128xi32, #tpu.memory_space<vmem>> -> memref<1x128xi32, #tpu.memory_space<vmem>>
      %dma_wait3A_295 = tpu.memref_squeeze %dma_wait3A_294 : memref<1x128xi32, #tpu.memory_space<vmem>> -> memref<128xi32, #tpu.memory_space<vmem>>
      %dma_wait3A_296 = arith.constant 0 : i32
      %dma_wait3A_297 = arith.constant 0 : i32
      %dma_wait3A_298 = tpu.memref_slice %arg3[%dma_wait3A_296, %dma_wait3A_297] : memref<26000x128xf32, #tpu.memory_space<hbm>> -> memref<26000x128xf32, #tpu.memory_space<hbm>>
      tpu.wait_indirect_dma semaphore(%arg10 : memref<!tpu.dma_semaphore, #tpu.memory_space<semaphore_mem>>) src(%dma_wait3A_298 : memref<26000x128xf32, #tpu.memory_space<hbm>>) dst(%dma_wait3A_292 : memref<128x128xf32, #tpu.memory_space<vmem>>)
      %dma_start3A_299 = arith.constant 3 : i32
      %dma_start3A_300 = arith.constant 0 : i32
      %dma_start3A_301 = arith.constant 0 : i32
      %dma_start3A_302 = tpu.memref_slice %arg6[%dma_start3A_299, %dma_start3A_300, %dma_start3A_301] : memref<4x128x128xf32, #tpu.memory_space<vmem>> -> memref<1x128x128xf32, #tpu.memory_space<vmem>>
      %dma_start3A_303 = tpu.memref_squeeze %dma_start3A_302 : memref<1x128x128xf32, #tpu.memory_space<vmem>> -> memref<128x128xf32, #tpu.memory_space<vmem>>
      %dma_start3A_304 = arith.constant 0 : i32
      %dma_start3A_305 = tpu.memref_slice %arg4[%add3A_287, %dma_start3A_304] : memref<2129920x128xf32, #tpu.memory_space<hbm>> -> memref<128x128xf32, #tpu.memory_space<hbm>>
      %dma_start3A_306 = arith.constant 0 : i32
      %dma_start3A_307 = tpu.memref_slice %arg4[%add3A_287, %dma_start3A_306] : memref<2129920x128xf32, #tpu.memory_space<hbm>> -> memref<128x128xf32, #tpu.memory_space<hbm>>
      %dma_start3A_308 = arith.constant 0 : i32
      %dma_start3A_309 = arith.constant 0 : i32
      %dma_start3A_310 = tpu.memref_slice %arg6[%dma_start3A_299, %dma_start3A_308, %dma_start3A_309] : memref<4x128x128xf32, #tpu.memory_space<vmem>> -> memref<1x128x128xf32, #tpu.memory_space<vmem>>
      %dma_start3A_311 = tpu.memref_squeeze %dma_start3A_310 : memref<1x128x128xf32, #tpu.memory_space<vmem>> -> memref<128x128xf32, #tpu.memory_space<vmem>>
      tpu.enqueue_dma source(%dma_start3A_311 : memref<128x128xf32, #tpu.memory_space<vmem>>) target(%dma_start3A_307 : memref<128x128xf32, #tpu.memory_space<hbm>>) target_semaphore(%arg14 : memref<!tpu.dma_semaphore, #tpu.memory_space<semaphore_mem>>)
    }
    %scan3A_7 = arith.constant 130 : i32
    %dma_wait3A = arith.constant 0 : i32
    %dma_wait3A_8 = arith.constant 0 : i32
    %dma_wait3A_9 = arith.constant 0 : i32
    %dma_wait3A_10 = tpu.memref_slice %arg6[%dma_wait3A, %dma_wait3A_8, %dma_wait3A_9] : memref<4x128x128xf32, #tpu.memory_space<vmem>> -> memref<1x128x128xf32, #tpu.memory_space<vmem>>
    %dma_wait3A_11 = tpu.memref_squeeze %dma_wait3A_10 : memref<1x128x128xf32, #tpu.memory_space<vmem>> -> memref<128x128xf32, #tpu.memory_space<vmem>>
    %dma_wait3A_12 = arith.constant 0 : i32
    %dma_wait3A_13 = tpu.memref_slice %arg4[%mul3A_2, %dma_wait3A_12] : memref<2129920x128xf32, #tpu.memory_space<hbm>> -> memref<128x128xf32, #tpu.memory_space<hbm>>
    %dma_wait3A_14 = arith.constant 0 : i32
    %dma_wait3A_15 = tpu.memref_slice %arg4[%mul3A_2, %dma_wait3A_14] : memref<2129920x128xf32, #tpu.memory_space<hbm>> -> memref<128x128xf32, #tpu.memory_space<hbm>>
    %dma_wait3A_16 = arith.constant 0 : i32
    %dma_wait3A_17 = arith.constant 0 : i32
    %dma_wait3A_18 = tpu.memref_slice %arg6[%dma_wait3A, %dma_wait3A_16, %dma_wait3A_17] : memref<4x128x128xf32, #tpu.memory_space<vmem>> -> memref<1x128x128xf32, #tpu.memory_space<vmem>>
    %dma_wait3A_19 = tpu.memref_squeeze %dma_wait3A_18 : memref<1x128x128xf32, #tpu.memory_space<vmem>> -> memref<128x128xf32, #tpu.memory_space<vmem>>
    tpu.wait_dma2 semaphore(%arg11 : memref<!tpu.dma_semaphore, #tpu.memory_space<semaphore_mem>>) src(%dma_wait3A_19 : memref<128x128xf32, #tpu.memory_space<vmem>>) dst(%dma_wait3A_15 : memref<128x128xf32, #tpu.memory_space<hbm>>)
    %dma_wait3A_20 = arith.constant 1 : i32
    %dma_wait3A_21 = arith.constant 0 : i32
    %dma_wait3A_22 = arith.constant 0 : i32
    %dma_wait3A_23 = tpu.memref_slice %arg6[%dma_wait3A_20, %dma_wait3A_21, %dma_wait3A_22] : memref<4x128x128xf32, #tpu.memory_space<vmem>> -> memref<1x128x128xf32, #tpu.memory_space<vmem>>
    %dma_wait3A_24 = tpu.memref_squeeze %dma_wait3A_23 : memref<1x128x128xf32, #tpu.memory_space<vmem>> -> memref<128x128xf32, #tpu.memory_space<vmem>>
    %dma_wait3A_25 = arith.constant 0 : i32
    %dma_wait3A_26 = tpu.memref_slice %arg4[%mul3A_2, %dma_wait3A_25] : memref<2129920x128xf32, #tpu.memory_space<hbm>> -> memref<128x128xf32, #tpu.memory_space<hbm>>
    %dma_wait3A_27 = arith.constant 0 : i32
    %dma_wait3A_28 = tpu.memref_slice %arg4[%mul3A_2, %dma_wait3A_27] : memref<2129920x128xf32, #tpu.memory_space<hbm>> -> memref<128x128xf32, #tpu.memory_space<hbm>>
    %dma_wait3A_29 = arith.constant 0 : i32
    %dma_wait3A_30 = arith.constant 0 : i32
    %dma_wait3A_31 = tpu.memref_slice %arg6[%dma_wait3A_20, %dma_wait3A_29, %dma_wait3A_30] : memref<4x128x128xf32, #tpu.memory_space<vmem>> -> memref<1x128x128xf32, #tpu.memory_space<vmem>>
    %dma_wait3A_32 = tpu.memref_squeeze %dma_wait3A_31 : memref<1x128x128xf32, #tpu.memory_space<vmem>> -> memref<128x128xf32, #tpu.memory_space<vmem>>
    tpu.wait_dma2 semaphore(%arg12 : memref<!tpu.dma_semaphore, #tpu.memory_space<semaphore_mem>>) src(%dma_wait3A_32 : memref<128x128xf32, #tpu.memory_space<vmem>>) dst(%dma_wait3A_28 : memref<128x128xf32, #tpu.memory_space<hbm>>)
    %dma_wait3A_33 = arith.constant 2 : i32
    %dma_wait3A_34 = arith.constant 0 : i32
    %dma_wait3A_35 = arith.constant 0 : i32
    %dma_wait3A_36 = tpu.memref_slice %arg6[%dma_wait3A_33, %dma_wait3A_34, %dma_wait3A_35] : memref<4x128x128xf32, #tpu.memory_space<vmem>> -> memref<1x128x128xf32, #tpu.memory_space<vmem>>
    %dma_wait3A_37 = tpu.memref_squeeze %dma_wait3A_36 : memref<1x128x128xf32, #tpu.memory_space<vmem>> -> memref<128x128xf32, #tpu.memory_space<vmem>>
    %dma_wait3A_38 = arith.constant 0 : i32
    %dma_wait3A_39 = tpu.memref_slice %arg4[%mul3A_2, %dma_wait3A_38] : memref<2129920x128xf32, #tpu.memory_space<hbm>> -> memref<128x128xf32, #tpu.memory_space<hbm>>
    %dma_wait3A_40 = arith.constant 0 : i32
    %dma_wait3A_41 = tpu.memref_slice %arg4[%mul3A_2, %dma_wait3A_40] : memref<2129920x128xf32, #tpu.memory_space<hbm>> -> memref<128x128xf32, #tpu.memory_space<hbm>>
    %dma_wait3A_42 = arith.constant 0 : i32
    %dma_wait3A_43 = arith.constant 0 : i32
    %dma_wait3A_44 = tpu.memref_slice %arg6[%dma_wait3A_33, %dma_wait3A_42, %dma_wait3A_43] : memref<4x128x128xf32, #tpu.memory_space<vmem>> -> memref<1x128x128xf32, #tpu.memory_space<vmem>>
    %dma_wait3A_45 = tpu.memref_squeeze %dma_wait3A_44 : memref<1x128x128xf32, #tpu.memory_space<vmem>> -> memref<128x128xf32, #tpu.memory_space<vmem>>
    tpu.wait_dma2 semaphore(%arg13 : memref<!tpu.dma_semaphore, #tpu.memory_space<semaphore_mem>>) src(%dma_wait3A_45 : memref<128x128xf32, #tpu.memory_space<vmem>>) dst(%dma_wait3A_41 : memref<128x128xf32, #tpu.memory_space<hbm>>)
    %dma_wait3A_46 = arith.constant 3 : i32
    %dma_wait3A_47 = arith.constant 0 : i32
    %dma_wait3A_48 = arith.constant 0 : i32
    %dma_wait3A_49 = tpu.memref_slice %arg6[%dma_wait3A_46, %dma_wait3A_47, %dma_wait3A_48] : memref<4x128x128xf32, #tpu.memory_space<vmem>> -> memref<1x128x128xf32, #tpu.memory_space<vmem>>
    %dma_wait3A_50 = tpu.memref_squeeze %dma_wait3A_49 : memref<1x128x128xf32, #tpu.memory_space<vmem>> -> memref<128x128xf32, #tpu.memory_space<vmem>>
    %dma_wait3A_51 = arith.constant 0 : i32
    %dma_wait3A_52 = tpu.memref_slice %arg4[%mul3A_2, %dma_wait3A_51] : memref<2129920x128xf32, #tpu.memory_space<hbm>> -> memref<128x128xf32, #tpu.memory_space<hbm>>
    %dma_wait3A_53 = arith.constant 0 : i32
    %dma_wait3A_54 = tpu.memref_slice %arg4[%mul3A_2, %dma_wait3A_53] : memref<2129920x128xf32, #tpu.memory_space<hbm>> -> memref<128x128xf32, #tpu.memory_space<hbm>>
    %dma_wait3A_55 = arith.constant 0 : i32
    %dma_wait3A_56 = arith.constant 0 : i32
    %dma_wait3A_57 = tpu.memref_slice %arg6[%dma_wait3A_46, %dma_wait3A_55, %dma_wait3A_56] : memref<4x128x128xf32, #tpu.memory_space<vmem>> -> memref<1x128x128xf32, #tpu.memory_space<vmem>>
    %dma_wait3A_58 = tpu.memref_squeeze %dma_wait3A_57 : memref<1x128x128xf32, #tpu.memory_space<vmem>> -> memref<128x128xf32, #tpu.memory_space<vmem>>
    tpu.wait_dma2 semaphore(%arg14 : memref<!tpu.dma_semaphore, #tpu.memory_space<semaphore_mem>>) src(%dma_wait3A_58 : memref<128x128xf32, #tpu.memory_space<vmem>>) dst(%dma_wait3A_54 : memref<128x128xf32, #tpu.memory_space<hbm>>)
    return
  }
}

module attributes {stable_mosaic.version = 14 : i64} {
  func.func @body(%arg0: i32, %arg1: memref<16640x128xf32, #tpu.memory_space<vmem>>, %arg2: memref<3328x512xbf16, #tpu.memory_space<vmem>>, %arg3: memref<1x512xf32, #tpu.memory_space<vmem>>, %arg4: memref<32x20x512xf32, #tpu.memory_space<vmem>>) attributes {dimension_semantics = [#tpu.dimension_semantics<arbitrary>], iteration_bounds = array<i64: 128>, scalar_prefetch = 0 : i64, scratch_operands = 0 : i64, tpu.core_type = #tpu.core_type<tc>, window_params = [{transform_indices = @transform_0, window_bounds = array<i64: 16640, 128>}, {pipeline_mode = #tpu.pipeline_mode<synchronous>, transform_indices = @transform_1, window_bounds = array<i64: 3328, 512>}, {pipeline_mode = #tpu.pipeline_mode<synchronous>, transform_indices = @transform_2, window_bounds = array<i64: 1, 512>}, {transform_indices = @transform_3, window_bounds = array<i64: 32, 20, 512>}]} {
    %get3A = tpu.memref_reshape %arg1 : memref<16640x128xf32, #tpu.memory_space<vmem>> -> memref<640x3328xf32, #tpu.memory_space<vmem>>
    %get3A_0 = arith.constant 0 : index
    %get3A_1 = arith.constant 0 : index
    %get3A_2 = vector.load %get3A[%get3A_0, %get3A_1] : memref<640x3328xf32, #tpu.memory_space<vmem>>, vector<640x3328xf32>
    %convert_element_type3A = arith.truncf %get3A_2 : vector<640x3328xf32> to vector<640x3328xbf16>
    %get3A_3 = arith.constant 0 : index
    %get3A_4 = arith.constant 0 : index
    %get3A_5 = vector.load %arg2[%get3A_3, %get3A_4] : memref<3328x512xbf16, #tpu.memory_space<vmem>>, vector<3328x512xbf16>
    %dot_general3A = arith.constant dense<0.000000e+00> : vector<640x512xf32>
    %dot_general3A_6 = tpu.matmul %convert_element_type3A, %get3A_5, %dot_general3A {dimension_numbers = #tpu.dot_dimension_numbers<[1], [0], [0], [1], [0, 0, 1, 1], [], []>, transpose_lhs_hint = false} : vector<640x3328xbf16>, vector<3328x512xbf16>, vector<640x512xf32> -> vector<640x512xf32>
    %get3A_7 = arith.constant 0 : index
    %get3A_8 = arith.constant 0 : index
    %get3A_9 = vector.load %arg3[%get3A_7, %get3A_8] : memref<1x512xf32, #tpu.memory_space<vmem>>, vector<1x512xf32>
    %add3A = vector.broadcast %get3A_9 : vector<1x512xf32> to vector<640x512xf32>
    %add3A_10 = arith.addf %dot_general3A_6, %add3A : vector<640x512xf32>
    %slice3A = vector.extract_strided_slice %add3A_10 {offsets = [0, 0], sizes = [20, 512], strides = [1, 1]} : vector<640x512xf32> to vector<20x512xf32>
    %swap3A = arith.constant 0 : index
    %swap3A_11 = arith.constant 0 : index
    %swap3A_12 = arith.constant 0 : index
    %swap3A_13 = vector.load %arg4[%swap3A, %swap3A_11, %swap3A_12] : memref<32x20x512xf32, #tpu.memory_space<vmem>>, vector<1x20x512xf32>
    %swap3A_14 = vector.shape_cast %swap3A_13 : vector<1x20x512xf32> to vector<20x512xf32>
    %swap3A_15 = vector.shape_cast %slice3A : vector<20x512xf32> to vector<1x20x512xf32>
    tpu.vector_store %arg4[%swap3A, %swap3A_11, %swap3A_12], %swap3A_15 {strides = array<i32>} : memref<32x20x512xf32, #tpu.memory_space<vmem>>, vector<1x20x512xf32>,
    %slice3A_16 = vector.extract_strided_slice %add3A_10 {offsets = [20, 0], sizes = [20, 512], strides = [1, 1]} : vector<640x512xf32> to vector<20x512xf32>
    %swap3A_17 = arith.constant 1 : index
    %swap3A_18 = arith.constant 0 : index
    %swap3A_19 = arith.constant 0 : index
    %swap3A_20 = vector.load %arg4[%swap3A_17, %swap3A_18, %swap3A_19] : memref<32x20x512xf32, #tpu.memory_space<vmem>>, vector<1x20x512xf32>
    %swap3A_21 = vector.shape_cast %swap3A_20 : vector<1x20x512xf32> to vector<20x512xf32>
    %swap3A_22 = vector.shape_cast %slice3A_16 : vector<20x512xf32> to vector<1x20x512xf32>
    tpu.vector_store %arg4[%swap3A_17, %swap3A_18, %swap3A_19], %swap3A_22 {strides = array<i32>} : memref<32x20x512xf32, #tpu.memory_space<vmem>>, vector<1x20x512xf32>,
    %slice3A_23 = vector.extract_strided_slice %add3A_10 {offsets = [40, 0], sizes = [20, 512], strides = [1, 1]} : vector<640x512xf32> to vector<20x512xf32>
    %swap3A_24 = arith.constant 2 : index
    %swap3A_25 = arith.constant 0 : index
    %swap3A_26 = arith.constant 0 : index
    %swap3A_27 = vector.load %arg4[%swap3A_24, %swap3A_25, %swap3A_26] : memref<32x20x512xf32, #tpu.memory_space<vmem>>, vector<1x20x512xf32>
    %swap3A_28 = vector.shape_cast %swap3A_27 : vector<1x20x512xf32> to vector<20x512xf32>
    %swap3A_29 = vector.shape_cast %slice3A_23 : vector<20x512xf32> to vector<1x20x512xf32>
    tpu.vector_store %arg4[%swap3A_24, %swap3A_25, %swap3A_26], %swap3A_29 {strides = array<i32>} : memref<32x20x512xf32, #tpu.memory_space<vmem>>, vector<1x20x512xf32>,
    %slice3A_30 = vector.extract_strided_slice %add3A_10 {offsets = [60, 0], sizes = [20, 512], strides = [1, 1]} : vector<640x512xf32> to vector<20x512xf32>
    %swap3A_31 = arith.constant 3 : index
    %swap3A_32 = arith.constant 0 : index
    %swap3A_33 = arith.constant 0 : index
    %swap3A_34 = vector.load %arg4[%swap3A_31, %swap3A_32, %swap3A_33] : memref<32x20x512xf32, #tpu.memory_space<vmem>>, vector<1x20x512xf32>
    %swap3A_35 = vector.shape_cast %swap3A_34 : vector<1x20x512xf32> to vector<20x512xf32>
    %swap3A_36 = vector.shape_cast %slice3A_30 : vector<20x512xf32> to vector<1x20x512xf32>
    tpu.vector_store %arg4[%swap3A_31, %swap3A_32, %swap3A_33], %swap3A_36 {strides = array<i32>} : memref<32x20x512xf32, #tpu.memory_space<vmem>>, vector<1x20x512xf32>,
    %slice3A_37 = vector.extract_strided_slice %add3A_10 {offsets = [80, 0], sizes = [20, 512], strides = [1, 1]} : vector<640x512xf32> to vector<20x512xf32>
    %swap3A_38 = arith.constant 4 : index
    %swap3A_39 = arith.constant 0 : index
    %swap3A_40 = arith.constant 0 : index
    %swap3A_41 = vector.load %arg4[%swap3A_38, %swap3A_39, %swap3A_40] : memref<32x20x512xf32, #tpu.memory_space<vmem>>, vector<1x20x512xf32>
    %swap3A_42 = vector.shape_cast %swap3A_41 : vector<1x20x512xf32> to vector<20x512xf32>
    %swap3A_43 = vector.shape_cast %slice3A_37 : vector<20x512xf32> to vector<1x20x512xf32>
    tpu.vector_store %arg4[%swap3A_38, %swap3A_39, %swap3A_40], %swap3A_43 {strides = array<i32>} : memref<32x20x512xf32, #tpu.memory_space<vmem>>, vector<1x20x512xf32>,
    %slice3A_44 = vector.extract_strided_slice %add3A_10 {offsets = [100, 0], sizes = [20, 512], strides = [1, 1]} : vector<640x512xf32> to vector<20x512xf32>
    %swap3A_45 = arith.constant 5 : index
    %swap3A_46 = arith.constant 0 : index
    %swap3A_47 = arith.constant 0 : index
    %swap3A_48 = vector.load %arg4[%swap3A_45, %swap3A_46, %swap3A_47] : memref<32x20x512xf32, #tpu.memory_space<vmem>>, vector<1x20x512xf32>
    %swap3A_49 = vector.shape_cast %swap3A_48 : vector<1x20x512xf32> to vector<20x512xf32>
    %swap3A_50 = vector.shape_cast %slice3A_44 : vector<20x512xf32> to vector<1x20x512xf32>
    tpu.vector_store %arg4[%swap3A_45, %swap3A_46, %swap3A_47], %swap3A_50 {strides = array<i32>} : memref<32x20x512xf32, #tpu.memory_space<vmem>>, vector<1x20x512xf32>,
    %slice3A_51 = vector.extract_strided_slice %add3A_10 {offsets = [120, 0], sizes = [20, 512], strides = [1, 1]} : vector<640x512xf32> to vector<20x512xf32>
    %swap3A_52 = arith.constant 6 : index
    %swap3A_53 = arith.constant 0 : index
    %swap3A_54 = arith.constant 0 : index
    %swap3A_55 = vector.load %arg4[%swap3A_52, %swap3A_53, %swap3A_54] : memref<32x20x512xf32, #tpu.memory_space<vmem>>, vector<1x20x512xf32>
    %swap3A_56 = vector.shape_cast %swap3A_55 : vector<1x20x512xf32> to vector<20x512xf32>
    %swap3A_57 = vector.shape_cast %slice3A_51 : vector<20x512xf32> to vector<1x20x512xf32>
    tpu.vector_store %arg4[%swap3A_52, %swap3A_53, %swap3A_54], %swap3A_57 {strides = array<i32>} : memref<32x20x512xf32, #tpu.memory_space<vmem>>, vector<1x20x512xf32>,
    %slice3A_58 = vector.extract_strided_slice %add3A_10 {offsets = [140, 0], sizes = [20, 512], strides = [1, 1]} : vector<640x512xf32> to vector<20x512xf32>
    %swap3A_59 = arith.constant 7 : index
    %swap3A_60 = arith.constant 0 : index
    %swap3A_61 = arith.constant 0 : index
    %swap3A_62 = vector.load %arg4[%swap3A_59, %swap3A_60, %swap3A_61] : memref<32x20x512xf32, #tpu.memory_space<vmem>>, vector<1x20x512xf32>
    %swap3A_63 = vector.shape_cast %swap3A_62 : vector<1x20x512xf32> to vector<20x512xf32>
    %swap3A_64 = vector.shape_cast %slice3A_58 : vector<20x512xf32> to vector<1x20x512xf32>
    tpu.vector_store %arg4[%swap3A_59, %swap3A_60, %swap3A_61], %swap3A_64 {strides = array<i32>} : memref<32x20x512xf32, #tpu.memory_space<vmem>>, vector<1x20x512xf32>,
    %slice3A_65 = vector.extract_strided_slice %add3A_10 {offsets = [160, 0], sizes = [20, 512], strides = [1, 1]} : vector<640x512xf32> to vector<20x512xf32>
    %swap3A_66 = arith.constant 8 : index
    %swap3A_67 = arith.constant 0 : index
    %swap3A_68 = arith.constant 0 : index
    %swap3A_69 = vector.load %arg4[%swap3A_66, %swap3A_67, %swap3A_68] : memref<32x20x512xf32, #tpu.memory_space<vmem>>, vector<1x20x512xf32>
    %swap3A_70 = vector.shape_cast %swap3A_69 : vector<1x20x512xf32> to vector<20x512xf32>
    %swap3A_71 = vector.shape_cast %slice3A_65 : vector<20x512xf32> to vector<1x20x512xf32>
    tpu.vector_store %arg4[%swap3A_66, %swap3A_67, %swap3A_68], %swap3A_71 {strides = array<i32>} : memref<32x20x512xf32, #tpu.memory_space<vmem>>, vector<1x20x512xf32>,
    %slice3A_72 = vector.extract_strided_slice %add3A_10 {offsets = [180, 0], sizes = [20, 512], strides = [1, 1]} : vector<640x512xf32> to vector<20x512xf32>
    %swap3A_73 = arith.constant 9 : index
    %swap3A_74 = arith.constant 0 : index
    %swap3A_75 = arith.constant 0 : index
    %swap3A_76 = vector.load %arg4[%swap3A_73, %swap3A_74, %swap3A_75] : memref<32x20x512xf32, #tpu.memory_space<vmem>>, vector<1x20x512xf32>
    %swap3A_77 = vector.shape_cast %swap3A_76 : vector<1x20x512xf32> to vector<20x512xf32>
    %swap3A_78 = vector.shape_cast %slice3A_72 : vector<20x512xf32> to vector<1x20x512xf32>
    tpu.vector_store %arg4[%swap3A_73, %swap3A_74, %swap3A_75], %swap3A_78 {strides = array<i32>} : memref<32x20x512xf32, #tpu.memory_space<vmem>>, vector<1x20x512xf32>,
    %slice3A_79 = vector.extract_strided_slice %add3A_10 {offsets = [200, 0], sizes = [20, 512], strides = [1, 1]} : vector<640x512xf32> to vector<20x512xf32>
    %swap3A_80 = arith.constant 10 : index
    %swap3A_81 = arith.constant 0 : index
    %swap3A_82 = arith.constant 0 : index
    %swap3A_83 = vector.load %arg4[%swap3A_80, %swap3A_81, %swap3A_82] : memref<32x20x512xf32, #tpu.memory_space<vmem>>, vector<1x20x512xf32>
    %swap3A_84 = vector.shape_cast %swap3A_83 : vector<1x20x512xf32> to vector<20x512xf32>
    %swap3A_85 = vector.shape_cast %slice3A_79 : vector<20x512xf32> to vector<1x20x512xf32>
    tpu.vector_store %arg4[%swap3A_80, %swap3A_81, %swap3A_82], %swap3A_85 {strides = array<i32>} : memref<32x20x512xf32, #tpu.memory_space<vmem>>, vector<1x20x512xf32>,
    %slice3A_86 = vector.extract_strided_slice %add3A_10 {offsets = [220, 0], sizes = [20, 512], strides = [1, 1]} : vector<640x512xf32> to vector<20x512xf32>
    %swap3A_87 = arith.constant 11 : index
    %swap3A_88 = arith.constant 0 : index
    %swap3A_89 = arith.constant 0 : index
    %swap3A_90 = vector.load %arg4[%swap3A_87, %swap3A_88, %swap3A_89] : memref<32x20x512xf32, #tpu.memory_space<vmem>>, vector<1x20x512xf32>
    %swap3A_91 = vector.shape_cast %swap3A_90 : vector<1x20x512xf32> to vector<20x512xf32>
    %swap3A_92 = vector.shape_cast %slice3A_86 : vector<20x512xf32> to vector<1x20x512xf32>
    tpu.vector_store %arg4[%swap3A_87, %swap3A_88, %swap3A_89], %swap3A_92 {strides = array<i32>} : memref<32x20x512xf32, #tpu.memory_space<vmem>>, vector<1x20x512xf32>,
    %slice3A_93 = vector.extract_strided_slice %add3A_10 {offsets = [240, 0], sizes = [20, 512], strides = [1, 1]} : vector<640x512xf32> to vector<20x512xf32>
    %swap3A_94 = arith.constant 12 : index
    %swap3A_95 = arith.constant 0 : index
    %swap3A_96 = arith.constant 0 : index
    %swap3A_97 = vector.load %arg4[%swap3A_94, %swap3A_95, %swap3A_96] : memref<32x20x512xf32, #tpu.memory_space<vmem>>, vector<1x20x512xf32>
    %swap3A_98 = vector.shape_cast %swap3A_97 : vector<1x20x512xf32> to vector<20x512xf32>
    %swap3A_99 = vector.shape_cast %slice3A_93 : vector<20x512xf32> to vector<1x20x512xf32>
    tpu.vector_store %arg4[%swap3A_94, %swap3A_95, %swap3A_96], %swap3A_99 {strides = array<i32>} : memref<32x20x512xf32, #tpu.memory_space<vmem>>, vector<1x20x512xf32>,
    %slice3A_100 = vector.extract_strided_slice %add3A_10 {offsets = [260, 0], sizes = [20, 512], strides = [1, 1]} : vector<640x512xf32> to vector<20x512xf32>
    %swap3A_101 = arith.constant 13 : index
    %swap3A_102 = arith.constant 0 : index
    %swap3A_103 = arith.constant 0 : index
    %swap3A_104 = vector.load %arg4[%swap3A_101, %swap3A_102, %swap3A_103] : memref<32x20x512xf32, #tpu.memory_space<vmem>>, vector<1x20x512xf32>
    %swap3A_105 = vector.shape_cast %swap3A_104 : vector<1x20x512xf32> to vector<20x512xf32>
    %swap3A_106 = vector.shape_cast %slice3A_100 : vector<20x512xf32> to vector<1x20x512xf32>
    tpu.vector_store %arg4[%swap3A_101, %swap3A_102, %swap3A_103], %swap3A_106 {strides = array<i32>} : memref<32x20x512xf32, #tpu.memory_space<vmem>>, vector<1x20x512xf32>,
    %slice3A_107 = vector.extract_strided_slice %add3A_10 {offsets = [280, 0], sizes = [20, 512], strides = [1, 1]} : vector<640x512xf32> to vector<20x512xf32>
    %swap3A_108 = arith.constant 14 : index
    %swap3A_109 = arith.constant 0 : index
    %swap3A_110 = arith.constant 0 : index
    %swap3A_111 = vector.load %arg4[%swap3A_108, %swap3A_109, %swap3A_110] : memref<32x20x512xf32, #tpu.memory_space<vmem>>, vector<1x20x512xf32>
    %swap3A_112 = vector.shape_cast %swap3A_111 : vector<1x20x512xf32> to vector<20x512xf32>
    %swap3A_113 = vector.shape_cast %slice3A_107 : vector<20x512xf32> to vector<1x20x512xf32>
    tpu.vector_store %arg4[%swap3A_108, %swap3A_109, %swap3A_110], %swap3A_113 {strides = array<i32>} : memref<32x20x512xf32, #tpu.memory_space<vmem>>, vector<1x20x512xf32>,
    %slice3A_114 = vector.extract_strided_slice %add3A_10 {offsets = [300, 0], sizes = [20, 512], strides = [1, 1]} : vector<640x512xf32> to vector<20x512xf32>
    %swap3A_115 = arith.constant 15 : index
    %swap3A_116 = arith.constant 0 : index
    %swap3A_117 = arith.constant 0 : index
    %swap3A_118 = vector.load %arg4[%swap3A_115, %swap3A_116, %swap3A_117] : memref<32x20x512xf32, #tpu.memory_space<vmem>>, vector<1x20x512xf32>
    %swap3A_119 = vector.shape_cast %swap3A_118 : vector<1x20x512xf32> to vector<20x512xf32>
    %swap3A_120 = vector.shape_cast %slice3A_114 : vector<20x512xf32> to vector<1x20x512xf32>
    tpu.vector_store %arg4[%swap3A_115, %swap3A_116, %swap3A_117], %swap3A_120 {strides = array<i32>} : memref<32x20x512xf32, #tpu.memory_space<vmem>>, vector<1x20x512xf32>,
    %slice3A_121 = vector.extract_strided_slice %add3A_10 {offsets = [320, 0], sizes = [20, 512], strides = [1, 1]} : vector<640x512xf32> to vector<20x512xf32>
    %swap3A_122 = arith.constant 16 : index
    %swap3A_123 = arith.constant 0 : index
    %swap3A_124 = arith.constant 0 : index
    %swap3A_125 = vector.load %arg4[%swap3A_122, %swap3A_123, %swap3A_124] : memref<32x20x512xf32, #tpu.memory_space<vmem>>, vector<1x20x512xf32>
    %swap3A_126 = vector.shape_cast %swap3A_125 : vector<1x20x512xf32> to vector<20x512xf32>
    %swap3A_127 = vector.shape_cast %slice3A_121 : vector<20x512xf32> to vector<1x20x512xf32>
    tpu.vector_store %arg4[%swap3A_122, %swap3A_123, %swap3A_124], %swap3A_127 {strides = array<i32>} : memref<32x20x512xf32, #tpu.memory_space<vmem>>, vector<1x20x512xf32>,
    %slice3A_128 = vector.extract_strided_slice %add3A_10 {offsets = [340, 0], sizes = [20, 512], strides = [1, 1]} : vector<640x512xf32> to vector<20x512xf32>
    %swap3A_129 = arith.constant 17 : index
    %swap3A_130 = arith.constant 0 : index
    %swap3A_131 = arith.constant 0 : index
    %swap3A_132 = vector.load %arg4[%swap3A_129, %swap3A_130, %swap3A_131] : memref<32x20x512xf32, #tpu.memory_space<vmem>>, vector<1x20x512xf32>
    %swap3A_133 = vector.shape_cast %swap3A_132 : vector<1x20x512xf32> to vector<20x512xf32>
    %swap3A_134 = vector.shape_cast %slice3A_128 : vector<20x512xf32> to vector<1x20x512xf32>
    tpu.vector_store %arg4[%swap3A_129, %swap3A_130, %swap3A_131], %swap3A_134 {strides = array<i32>} : memref<32x20x512xf32, #tpu.memory_space<vmem>>, vector<1x20x512xf32>,
    %slice3A_135 = vector.extract_strided_slice %add3A_10 {offsets = [360, 0], sizes = [20, 512], strides = [1, 1]} : vector<640x512xf32> to vector<20x512xf32>
    %swap3A_136 = arith.constant 18 : index
    %swap3A_137 = arith.constant 0 : index
    %swap3A_138 = arith.constant 0 : index
    %swap3A_139 = vector.load %arg4[%swap3A_136, %swap3A_137, %swap3A_138] : memref<32x20x512xf32, #tpu.memory_space<vmem>>, vector<1x20x512xf32>
    %swap3A_140 = vector.shape_cast %swap3A_139 : vector<1x20x512xf32> to vector<20x512xf32>
    %swap3A_141 = vector.shape_cast %slice3A_135 : vector<20x512xf32> to vector<1x20x512xf32>
    tpu.vector_store %arg4[%swap3A_136, %swap3A_137, %swap3A_138], %swap3A_141 {strides = array<i32>} : memref<32x20x512xf32, #tpu.memory_space<vmem>>, vector<1x20x512xf32>,
    %slice3A_142 = vector.extract_strided_slice %add3A_10 {offsets = [380, 0], sizes = [20, 512], strides = [1, 1]} : vector<640x512xf32> to vector<20x512xf32>
    %swap3A_143 = arith.constant 19 : index
    %swap3A_144 = arith.constant 0 : index
    %swap3A_145 = arith.constant 0 : index
    %swap3A_146 = vector.load %arg4[%swap3A_143, %swap3A_144, %swap3A_145] : memref<32x20x512xf32, #tpu.memory_space<vmem>>, vector<1x20x512xf32>
    %swap3A_147 = vector.shape_cast %swap3A_146 : vector<1x20x512xf32> to vector<20x512xf32>
    %swap3A_148 = vector.shape_cast %slice3A_142 : vector<20x512xf32> to vector<1x20x512xf32>
    tpu.vector_store %arg4[%swap3A_143, %swap3A_144, %swap3A_145], %swap3A_148 {strides = array<i32>} : memref<32x20x512xf32, #tpu.memory_space<vmem>>, vector<1x20x512xf32>,
    %slice3A_149 = vector.extract_strided_slice %add3A_10 {offsets = [400, 0], sizes = [20, 512], strides = [1, 1]} : vector<640x512xf32> to vector<20x512xf32>
    %swap3A_150 = arith.constant 20 : index
    %swap3A_151 = arith.constant 0 : index
    %swap3A_152 = arith.constant 0 : index
    %swap3A_153 = vector.load %arg4[%swap3A_150, %swap3A_151, %swap3A_152] : memref<32x20x512xf32, #tpu.memory_space<vmem>>, vector<1x20x512xf32>
    %swap3A_154 = vector.shape_cast %swap3A_153 : vector<1x20x512xf32> to vector<20x512xf32>
    %swap3A_155 = vector.shape_cast %slice3A_149 : vector<20x512xf32> to vector<1x20x512xf32>
    tpu.vector_store %arg4[%swap3A_150, %swap3A_151, %swap3A_152], %swap3A_155 {strides = array<i32>} : memref<32x20x512xf32, #tpu.memory_space<vmem>>, vector<1x20x512xf32>,
    %slice3A_156 = vector.extract_strided_slice %add3A_10 {offsets = [420, 0], sizes = [20, 512], strides = [1, 1]} : vector<640x512xf32> to vector<20x512xf32>
    %swap3A_157 = arith.constant 21 : index
    %swap3A_158 = arith.constant 0 : index
    %swap3A_159 = arith.constant 0 : index
    %swap3A_160 = vector.load %arg4[%swap3A_157, %swap3A_158, %swap3A_159] : memref<32x20x512xf32, #tpu.memory_space<vmem>>, vector<1x20x512xf32>
    %swap3A_161 = vector.shape_cast %swap3A_160 : vector<1x20x512xf32> to vector<20x512xf32>
    %swap3A_162 = vector.shape_cast %slice3A_156 : vector<20x512xf32> to vector<1x20x512xf32>
    tpu.vector_store %arg4[%swap3A_157, %swap3A_158, %swap3A_159], %swap3A_162 {strides = array<i32>} : memref<32x20x512xf32, #tpu.memory_space<vmem>>, vector<1x20x512xf32>,
    %slice3A_163 = vector.extract_strided_slice %add3A_10 {offsets = [440, 0], sizes = [20, 512], strides = [1, 1]} : vector<640x512xf32> to vector<20x512xf32>
    %swap3A_164 = arith.constant 22 : index
    %swap3A_165 = arith.constant 0 : index
    %swap3A_166 = arith.constant 0 : index
    %swap3A_167 = vector.load %arg4[%swap3A_164, %swap3A_165, %swap3A_166] : memref<32x20x512xf32, #tpu.memory_space<vmem>>, vector<1x20x512xf32>
    %swap3A_168 = vector.shape_cast %swap3A_167 : vector<1x20x512xf32> to vector<20x512xf32>
    %swap3A_169 = vector.shape_cast %slice3A_163 : vector<20x512xf32> to vector<1x20x512xf32>
    tpu.vector_store %arg4[%swap3A_164, %swap3A_165, %swap3A_166], %swap3A_169 {strides = array<i32>} : memref<32x20x512xf32, #tpu.memory_space<vmem>>, vector<1x20x512xf32>,
    %slice3A_170 = vector.extract_strided_slice %add3A_10 {offsets = [460, 0], sizes = [20, 512], strides = [1, 1]} : vector<640x512xf32> to vector<20x512xf32>
    %swap3A_171 = arith.constant 23 : index
    %swap3A_172 = arith.constant 0 : index
    %swap3A_173 = arith.constant 0 : index
    %swap3A_174 = vector.load %arg4[%swap3A_171, %swap3A_172, %swap3A_173] : memref<32x20x512xf32, #tpu.memory_space<vmem>>, vector<1x20x512xf32>
    %swap3A_175 = vector.shape_cast %swap3A_174 : vector<1x20x512xf32> to vector<20x512xf32>
    %swap3A_176 = vector.shape_cast %slice3A_170 : vector<20x512xf32> to vector<1x20x512xf32>
    tpu.vector_store %arg4[%swap3A_171, %swap3A_172, %swap3A_173], %swap3A_176 {strides = array<i32>} : memref<32x20x512xf32, #tpu.memory_space<vmem>>, vector<1x20x512xf32>,
    %slice3A_177 = vector.extract_strided_slice %add3A_10 {offsets = [480, 0], sizes = [20, 512], strides = [1, 1]} : vector<640x512xf32> to vector<20x512xf32>
    %swap3A_178 = arith.constant 24 : index
    %swap3A_179 = arith.constant 0 : index
    %swap3A_180 = arith.constant 0 : index
    %swap3A_181 = vector.load %arg4[%swap3A_178, %swap3A_179, %swap3A_180] : memref<32x20x512xf32, #tpu.memory_space<vmem>>, vector<1x20x512xf32>
    %swap3A_182 = vector.shape_cast %swap3A_181 : vector<1x20x512xf32> to vector<20x512xf32>
    %swap3A_183 = vector.shape_cast %slice3A_177 : vector<20x512xf32> to vector<1x20x512xf32>
    tpu.vector_store %arg4[%swap3A_178, %swap3A_179, %swap3A_180], %swap3A_183 {strides = array<i32>} : memref<32x20x512xf32, #tpu.memory_space<vmem>>, vector<1x20x512xf32>,
    %slice3A_184 = vector.extract_strided_slice %add3A_10 {offsets = [500, 0], sizes = [20, 512], strides = [1, 1]} : vector<640x512xf32> to vector<20x512xf32>
    %swap3A_185 = arith.constant 25 : index
    %swap3A_186 = arith.constant 0 : index
    %swap3A_187 = arith.constant 0 : index
    %swap3A_188 = vector.load %arg4[%swap3A_185, %swap3A_186, %swap3A_187] : memref<32x20x512xf32, #tpu.memory_space<vmem>>, vector<1x20x512xf32>
    %swap3A_189 = vector.shape_cast %swap3A_188 : vector<1x20x512xf32> to vector<20x512xf32>
    %swap3A_190 = vector.shape_cast %slice3A_184 : vector<20x512xf32> to vector<1x20x512xf32>
    tpu.vector_store %arg4[%swap3A_185, %swap3A_186, %swap3A_187], %swap3A_190 {strides = array<i32>} : memref<32x20x512xf32, #tpu.memory_space<vmem>>, vector<1x20x512xf32>,
    %slice3A_191 = vector.extract_strided_slice %add3A_10 {offsets = [520, 0], sizes = [20, 512], strides = [1, 1]} : vector<640x512xf32> to vector<20x512xf32>
    %swap3A_192 = arith.constant 26 : index
    %swap3A_193 = arith.constant 0 : index
    %swap3A_194 = arith.constant 0 : index
    %swap3A_195 = vector.load %arg4[%swap3A_192, %swap3A_193, %swap3A_194] : memref<32x20x512xf32, #tpu.memory_space<vmem>>, vector<1x20x512xf32>
    %swap3A_196 = vector.shape_cast %swap3A_195 : vector<1x20x512xf32> to vector<20x512xf32>
    %swap3A_197 = vector.shape_cast %slice3A_191 : vector<20x512xf32> to vector<1x20x512xf32>
    tpu.vector_store %arg4[%swap3A_192, %swap3A_193, %swap3A_194], %swap3A_197 {strides = array<i32>} : memref<32x20x512xf32, #tpu.memory_space<vmem>>, vector<1x20x512xf32>,
    %slice3A_198 = vector.extract_strided_slice %add3A_10 {offsets = [540, 0], sizes = [20, 512], strides = [1, 1]} : vector<640x512xf32> to vector<20x512xf32>
    %swap3A_199 = arith.constant 27 : index
    %swap3A_200 = arith.constant 0 : index
    %swap3A_201 = arith.constant 0 : index
    %swap3A_202 = vector.load %arg4[%swap3A_199, %swap3A_200, %swap3A_201] : memref<32x20x512xf32, #tpu.memory_space<vmem>>, vector<1x20x512xf32>
    %swap3A_203 = vector.shape_cast %swap3A_202 : vector<1x20x512xf32> to vector<20x512xf32>
    %swap3A_204 = vector.shape_cast %slice3A_198 : vector<20x512xf32> to vector<1x20x512xf32>
    tpu.vector_store %arg4[%swap3A_199, %swap3A_200, %swap3A_201], %swap3A_204 {strides = array<i32>} : memref<32x20x512xf32, #tpu.memory_space<vmem>>, vector<1x20x512xf32>,
    %slice3A_205 = vector.extract_strided_slice %add3A_10 {offsets = [560, 0], sizes = [20, 512], strides = [1, 1]} : vector<640x512xf32> to vector<20x512xf32>
    %swap3A_206 = arith.constant 28 : index
    %swap3A_207 = arith.constant 0 : index
    %swap3A_208 = arith.constant 0 : index
    %swap3A_209 = vector.load %arg4[%swap3A_206, %swap3A_207, %swap3A_208] : memref<32x20x512xf32, #tpu.memory_space<vmem>>, vector<1x20x512xf32>
    %swap3A_210 = vector.shape_cast %swap3A_209 : vector<1x20x512xf32> to vector<20x512xf32>
    %swap3A_211 = vector.shape_cast %slice3A_205 : vector<20x512xf32> to vector<1x20x512xf32>
    tpu.vector_store %arg4[%swap3A_206, %swap3A_207, %swap3A_208], %swap3A_211 {strides = array<i32>} : memref<32x20x512xf32, #tpu.memory_space<vmem>>, vector<1x20x512xf32>,
    %slice3A_212 = vector.extract_strided_slice %add3A_10 {offsets = [580, 0], sizes = [20, 512], strides = [1, 1]} : vector<640x512xf32> to vector<20x512xf32>
    %swap3A_213 = arith.constant 29 : index
    %swap3A_214 = arith.constant 0 : index
    %swap3A_215 = arith.constant 0 : index
    %swap3A_216 = vector.load %arg4[%swap3A_213, %swap3A_214, %swap3A_215] : memref<32x20x512xf32, #tpu.memory_space<vmem>>, vector<1x20x512xf32>
    %swap3A_217 = vector.shape_cast %swap3A_216 : vector<1x20x512xf32> to vector<20x512xf32>
    %swap3A_218 = vector.shape_cast %slice3A_212 : vector<20x512xf32> to vector<1x20x512xf32>
    tpu.vector_store %arg4[%swap3A_213, %swap3A_214, %swap3A_215], %swap3A_218 {strides = array<i32>} : memref<32x20x512xf32, #tpu.memory_space<vmem>>, vector<1x20x512xf32>,
    %slice3A_219 = vector.extract_strided_slice %add3A_10 {offsets = [600, 0], sizes = [20, 512], strides = [1, 1]} : vector<640x512xf32> to vector<20x512xf32>
    %swap3A_220 = arith.constant 30 : index
    %swap3A_221 = arith.constant 0 : index
    %swap3A_222 = arith.constant 0 : index
    %swap3A_223 = vector.load %arg4[%swap3A_220, %swap3A_221, %swap3A_222] : memref<32x20x512xf32, #tpu.memory_space<vmem>>, vector<1x20x512xf32>
    %swap3A_224 = vector.shape_cast %swap3A_223 : vector<1x20x512xf32> to vector<20x512xf32>
    %swap3A_225 = vector.shape_cast %slice3A_219 : vector<20x512xf32> to vector<1x20x512xf32>
    tpu.vector_store %arg4[%swap3A_220, %swap3A_221, %swap3A_222], %swap3A_225 {strides = array<i32>} : memref<32x20x512xf32, #tpu.memory_space<vmem>>, vector<1x20x512xf32>,
    %slice3A_226 = vector.extract_strided_slice %add3A_10 {offsets = [620, 0], sizes = [20, 512], strides = [1, 1]} : vector<640x512xf32> to vector<20x512xf32>
    %swap3A_227 = arith.constant 31 : index
    %swap3A_228 = arith.constant 0 : index
    %swap3A_229 = arith.constant 0 : index
    %swap3A_230 = vector.load %arg4[%swap3A_227, %swap3A_228, %swap3A_229] : memref<32x20x512xf32, #tpu.memory_space<vmem>>, vector<1x20x512xf32>
    %swap3A_231 = vector.shape_cast %swap3A_230 : vector<1x20x512xf32> to vector<20x512xf32>
    %swap3A_232 = vector.shape_cast %slice3A_226 : vector<20x512xf32> to vector<1x20x512xf32>
    tpu.vector_store %arg4[%swap3A_227, %swap3A_228, %swap3A_229], %swap3A_232 {strides = array<i32>} : memref<32x20x512xf32, #tpu.memory_space<vmem>>, vector<1x20x512xf32>,
    return
  }
  func.func @transform_0(%arg0: i32) -> (i32, i32) {
    %c0_i32 = arith.constant 0 : i32
    %c0_i32_0 = arith.constant 0 : i32
    return %arg0, %c0_i32 : i32, i32
  }
  func.func @transform_1(%arg0: i32) -> (i32, i32) {
    %c0_i32 = arith.constant 0 : i32
    %c0_i32_0 = arith.constant 0 : i32
    %c0_i32_1 = arith.constant 0 : i32
    return %c0_i32, %c0_i32_0 : i32, i32
  }
  func.func @transform_2(%arg0: i32) -> (i32, i32) {
    %c0_i32 = arith.constant 0 : i32
    %c0_i32_0 = arith.constant 0 : i32
    %c0_i32_1 = arith.constant 0 : i32
    return %c0_i32, %c0_i32_0 : i32, i32
  }
  func.func @transform_3(%arg0: i32) -> (i32, i32, i32) {
    %c0_i32 = arith.constant 0 : i32
    %c0_i32_0 = arith.constant 0 : i32
    %c0_i32_1 = arith.constant 0 : i32
    return %arg0, %c0_i32, %c0_i32_0 : i32, i32, i32
  }
}

</mosaic_0001>

<sc_bundles>
// kernel: kernel.4.cloned.1.call-start
scs
__scs_entry_jumppad:
0x0: {  	(pc) =	sbr.rel $0x88, $3  }
0x1: {  	(tag) =	ssettag $0x0;
	lr =	simm.s32 $0x1  }
0x2: {  	[smem:$0x3F9D] =	sst lr;
	_ =	strace $0xD0000000  }
0x3: {  	_ = 	snop  }
0x4: {  	_ = 	snop  }
0x5: {  	_ = 	snop  }
0x6: {  	_ = 	snop  }
0x7: {  	_ = 	snop  }
__scs_overlays_trampoline_lowered:
0x8: {  	[smem:$0x3FAC] =	sst s0  }
0x9: {  	[smem:$0x3FAD] =	sst s1  }
0xa: {  	[smem:$0x3FAE] =	sst s2  }
0xb: {  	[smem:$0x3FAF] =	sst s3  }
0xc: {  	[smem:$0x3FB0] =	sst s4  }
0xd: {  	[smem:$0x3FB1] =	sst s5  }
0xe: {  	[smem:$0x3FB2] =	sst s6  }
0xf: {  	[smem:$0x3FB3] =	sst s7  }
0x10: {  	[smem:$0x3FB4] =	sst s8  }
0x11: {  	[smem:$0x3FB5] =	sst s9;
	s0 =	simm.s32 @!p0 $0x0  }
0x12: {  	s1 =	sld [smem:$0x3F9B];
	s0 =	simm.s32 @p0 $0x1  }
0x13: {  	[smem:$0x3FB6] =	sst s0;
	s0 =	simm.s32 @!p1 $0x0  }
0x14: {  	s2 =	sld [smem:$0x3F9A];
	s0 =	simm.s32 @p1 $0x1  }
0x15: {  	[smem:$0x3FB7] =	sst s0;
	s0 =	simm.s32 @!p2 $0x0  }
0x16: {  	s3 =	sld [smem:$0x3FDB];
	s0 =	simm.s32 @p2 $0x1  }
0x17: {  	s4 =	simm.s32 $0x1BF5;
	[smem:$0x3FB9] =	sst s0  }
0x18: {  	s0 =	sld [smem:$0x3F9C];
	_ =	swait.ge [sflag:s4], $0x0  }
0x19: {  	s7 =	sld [smem:$0x3F9D]  }
0x1a: {  	s8 =	sadd.s32 $0xFFFFE003, lr  }
0x1b: {  	s9 =	sadd.s32 $0xFFFFFEF7, lr;
	s5 =	simm.s32 $0xFFFFFFFF;
	p2 =	slt.u32 s8, $0xFFFFF086  }
0x1c: {  	p1 =	slt.u32 s9, $0xF7A;
	s5 =	simm.s32 @!p2 $0x0  }
0x1d: {  	s5 =	simm.s32 @p1 $0x1;
	p0 =	seq.s32 s7, s2  }
0x1e: {  	s7 =	smul.u32 @!p0 $0xF7A, s2;
	p2 =	seq.s32 @!p0 s5, $0x0  }
0x1f: {  	s9 =	smul.u32 $0xF7A, s1;
	s8 =	simm.s32 @!p0 $0x1BF5;
	p2 =	por !p2, p0  }
0x20: {  	[sflag:s8] =	ssyncset.s32 @!p0 $0xFFFFF086;
	s6 =	sadd.s32 @!p0 s3, s7;
	s7 =	simm.s32 @!p0 $0x108  }
0x21: {  	s3 =	sadd.s32 s3, s9;
	s6 =	sadd.s32 @!p0 $0x88, s6;
	s7 =	simm.s32 @p2 $0x1082  }
0x22: {  	[simem:s7], [sflag:s8] =	dma.local @!p0 [hbm:s6], $0xF7A  }
0x23: {  	s9 =	sor.u32 $0xD0000000, s2;
	s6 =	simm.s32 $0x108;
	_ =	swait.ge @!p0 [sflag:s8], $0x0  }
0x24: {  	s3 =	sadd.s32 $0x88, s3;
	s6 =	simm.s32 @!p1 $0x1082;
	[sflag:s4] =	ssyncset.s32 $0xFFFFF086  }
0x25: {  	[simem:s6], [sflag:s4] =	dma.local [hbm:s3], $0xF7A  }
0x26: {  	[smem:$0x3F9D] =	sst s1;
	(tag) =	ssettag s2;
	_ =	strace s9  }
0x27: {  	s1 =	sld [smem:$0x3FAD]  }
0x28: {  	s2 =	sld [smem:$0x3FAE]  }
0x29: {  	s4 =	sld [smem:$0x3FB0]  }
0x2a: {  	p0 =	seq.s32 s5, $0x0;
	s5 =	sld [smem:$0x3FB1]  }
0x2b: {  	s6 =	sld [smem:$0x3FB2]  }
0x2c: {  	s7 =	sld [smem:$0x3FB3]  }
0x2d: {  	s3 =	simm.s32 $0x108;
	s8 =	sld [smem:$0x3FB4]  }
0x2e: {  	s3 =	simm.s32 @!p0 $0x1082;
	s9 =	sld [smem:$0x3FB5]  }
0x2f: {  	lr =	sadd.s32 s0, s3;
	s0 =	sld [smem:$0x3FAC]  }
0x30: {  	s3 =	sld [smem:$0x3FAF]  }
0x31: {  	[smem:$0x3FB8] =	sst s10  }
0x32: {  	s10 =	sld [smem:$0x3FB6];
	_ =	sdelay $0x3  }
0x33: {  	p0 =	seq.s32 s10, $0x1;
	s10 =	sld [smem:$0x3FB8];
	_ =	sdelay $0x3  }
0x34: {  	[smem:$0x3FB8] =	sst s10  }
0x35: {  	s10 =	sld [smem:$0x3FB7];
	_ =	sdelay $0x3  }
0x36: {  	p1 =	seq.s32 s10, $0x1;
	s10 =	sld [smem:$0x3FB8];
	_ =	sdelay $0x3  }
0x37: {  	[smem:$0x3FB8] =	sst s10  }
0x38: {  	s10 =	sld [smem:$0x3FB9]  }
0x39: {  	_ = 	snop;
	(pc) =	sbr.ind lr, $3  }
0x3a: {  	_ = 	snop  }
0x3b: {  	_ = 	snop  }
0x3c: {  	p2 =	seq.s32 s10, $0x1;
	s10 =	sld [smem:$0x3FB8]  }
0x3d: {  	_ =	shalt  }
0x3e: {  	_ =	shalt  }
0x3f: {  	_ =	shalt  }
0x40: {  	_ =	shalt  }
0x41: {  	_ =	shalt  }
0x42: {  	_ =	shalt  }
0x43: {  	_ =	shalt  }
0x44: {  	_ =	shalt  }
0x45: {  	_ =	shalt  }
0x46: {  	_ =	shalt  }
0x47: {  	_ =	shalt  }
0x48: {  	_ =	shalt  }
0x49: {  	_ =	shalt  }
0x4a: {  	_ =	shalt  }
0x4b: {  	_ =	shalt  }
0x4c: {  	_ =	shalt  }
0x4d: {  	_ =	shalt  }
0x4e: {  	_ =	shalt  }
0x4f: {  	_ =	shalt  }
0x50: {  	_ =	shalt  }
0x51: {  	_ =	shalt  }
0x52: {  	_ =	shalt  }
0x53: {  	_ =	shalt  }
0x54: {  	_ =	shalt  }
0x55: {  	_ =	shalt  }
0x56: {  	_ =	shalt  }
0x57: {  	_ =	shalt  }
0x58: {  	_ =	shalt  }
0x59: {  	_ =	shalt  }
0x5a: {  	_ =	shalt  }
0x5b: {  	_ =	shalt  }
0x5c: {  	_ =	shalt  }
0x5d: {  	_ =	shalt  }
0x5e: {  	_ =	shalt  }
0x5f: {  	_ =	shalt  }
0x60: {  	_ =	shalt  }
0x61: {  	_ =	shalt  }
0x62: {  	_ =	shalt  }
0x63: {  	_ =	shalt  }
0x64: {  	_ =	shalt  }
0x65: {  	_ =	shalt  }
0x66: {  	_ =	shalt  }
0x67: {  	_ =	shalt  }
0x68: {  	_ =	shalt  }
0x69: {  	_ =	shalt  }
0x6a: {  	_ =	shalt  }
0x6b: {  	_ =	shalt  }
0x6c: {  	_ =	shalt  }
0x6d: {  	_ =	shalt  }
0x6e: {  	_ =	shalt  }
0x6f: {  	_ =	shalt  }
0x70: {  	_ =	shalt  }
0x71: {  	_ =	shalt  }
0x72: {  	_ =	shalt  }
0x73: {  	_ =	shalt  }
0x74: {  	_ =	shalt  }
0x75: {  	_ =	shalt  }
0x76: {  	_ =	shalt  }
0x77: {  	_ =	shalt  }
0x78: {  	_ =	shalt  }
0x79: {  	_ =	shalt  }
0x7a: {  	_ =	shalt  }
0x7b: {  	_ =	shalt  }
0x7c: {  	_ =	shalt  }
0x7d: {  	_ =	shalt  }
0x7e: {  	_ =	shalt  }
0x7f: {  	_ =	shalt  }
0x80: {  	_ =	shalt  }
0x81: {  	_ =	shalt  }
0x82: {  	_ =	shalt  }
0x83: {  	_ =	shalt  }
0x84: {  	_ =	shalt  }
0x85: {  	_ =	shalt  }
0x86: {  	_ =	shalt  }
0x87: {  	_ =	shalt  }
.Lfunc_end0:
.L_simem_size_0:
called_computation_lowered:
.L_overlay_start_0:
0x88: {  	s2 =	sld [smem:$0x3FD9]  }
0x89: {  	s3 =	sld [smem:$0x3FFE];
	_ =	sdelay $0x1  }
0x8a: {  	s1 =	srdreg.scid  }
0x8b: {  	s0 =	sand.u32 $0x1, s1  }
0x8c: {  	s17 =	sshll.u32 s0, $0xA;
	s2 =	sadd.s32 s3, s2  }
0x8d: {  	s2 =	sadd.s32 s2, s17  }
0x8e: {  	[smem:$0x3FC4] =	sst s2  }
0x8f: {  	_ = 	snop  }
0x90: {  	s2 =	sld [smem:$0x3FC8]  }
0x91: {  	s18 =	sld [smem:$0x3FD0];
	(tm) =	ssettm $0x1  }
0x92: {  	s4 =	sld [smem:$0x3FFB];
	_ =	sdelay $0x3  }
0x93: {  	_ =	strace s4  }
0x94: {  	s4 =	sld [smem:$0x3FFC];
	_ =	sdelay $0x3  }
0x95: {  	_ =	strace s4  }
0x96: {  	s4 =	sld [smem:$0x3FFD];
	_ =	sdelay $0x3  }
0x97: {  	_ =	strace s4  }
0x98: {  	_ =	strace $0x8FFFFFFF  }
0x99: {  	s19 =	sld [smem:$0x3FDB];
	_ =	sdelay $0x1  }
0x9a: {  	s5 =	simm.s32 $_scs_section_size  }
0x9b: {  	s6 =	simm.s32 $_size__tile_overlayer_lowered;
	s7 =	simm.s32 $_tile_overlayer_lowered  }
0x9c: {  	s22 =	simm.s32 $0x1BFF;
	s21 =	sshll.u32 s7, $0x1;
	s4 =	sadd.s32 s5, s19  }
0x9d: {  	s8 =	simm.s32 $0x0;
	s20 =	sshll.u32 s6, $0x1;
	s6 =	sadd.s32 s21, s4  }
0x9e: {  	[timem:s8], [sflag:s22] =	dma.local [hbm:s6], s20  }
0x9f: {  	_ =	swait.ge [sflag:s22], s20  }
0xa0: {  	s5 =	ssub.s32 $0x0, s20;
	[sflag:s22] =	ssyncset.done $0x0  }
0xa1: {  	[sflag:s22] =	ssyncadd.s32 s5;
	_ =	sdelay $0x1  }
0xa2: {  	s23 =	simm.s32 $0x1B8B  }
0xa3: {  	_ =	swait.ge [sflag:s23], $0x1  }
0xa4: {  	[sflag:s23] =	ssyncset.done $0x0  }
0xa5: {  	s25 =	simm.s32 $0x1B8E;
	s24 =	sld [smem:$0x3FFE];
	[sflag:s23] =	ssyncadd.s32 $0xFFFFFFFF  }
0xa6: {  	s26 =	simm.s32 $execute0_lowered;
	[smem:$0x3FD2] =	sst s25  }
0xa7: {  	s6 =	sshll.u32 s26, $0x1;
	_ =	strace $0x80000046;
	[dreg:$0x1] =	wrdreg $0xFFFFFFFF  }
0xa8: {  	s28 =	simm.s32 $_size_execute0_lowered;
	s4 =	sadd.s32 s4, s6;
	[dreg:$0x0] =	wrdreg $0x0  }
0xa9: {  	s6 =	sshll.u32 s28, $0x1;
	[dreg:$0x2] =	wrdreg s4  }
0xaa: {  	[dreg:$0x3] =	wrdreg s6  }
0xab: {  	[dreg:$0x4] =	wrdreg $0xC0  }
0xac: {  	_ =	task [dreg:s8], $0x5FFFF  }
0xad: {  	[dreg:$0x1] =	wrdreg $0xFFFFFFFF  }
0xae: {  	[dreg:$0x0] =	wrdreg $0x60  }
0xaf: {  	[dreg:$0x2] =	wrdreg s18  }
0xb0: {  	[dreg:$0x3] =	wrdreg s2  }
0xb1: {  	[dreg:$0x4] =	wrdreg s24  }
0xb2: {  	[dreg:$0x5] =	wrdreg $0x9  }
0xb3: {  	_ =	task.clear_ibuf [dreg:s8], $0x6FFFF;
	_ =	strace $0x90000046  }
0xb4: {  	s29 =	simm.s32 $0x9;
	_ =	strace $0x80000048  }
0xb5: {  	_ =	swait.ge [sflag:s29], $0x1  }
0xb6: {  	[sflag:s29] =	ssyncadd.s32 $0xFFFFFFFF  }
0xb7: {  	_ =	strace $0x90000048  }
0xb8: {  	_ =	sfence  }
0xb9: {  	s30 =	sld [smem:$0x0];
	_ =	sdelay $0x2  }
0xba: {  	s31 =	sshll.u32 s1, $0xD;
	s1 =	sshrl.u32 s1, $0x2  }
0xbb: {  	s3 =	sand.u32 $0x4000, s31;
	s1 =	sadd.s32 s1, s30  }
0xbc: {  	s0 =	sor.u32 s3, s0;
	s1 =	sshll.u32 s1, $0x11  }
0xbd: {  	s0 =	sor.u32 s1, s0  }
0xbe: {  	s0 =	sadd.s32 $0x8F2B, s0  }
0xbf: {  	[sflag:s0] =	ssyncadd.remote.s32 $0x1  }
0xc0: {  	_ =	sfence.sel $0xFFFF  }
0xc1: {  	[dreg:$0x0] =	wrdreg $0xFFFFFFFF;
	(pc) =	sbr.abs _section_cstart, $3  }
0xc2: {  	[dreg:$0x1] =	wrdreg $0xFFFFFFFF  }
0xc3: {  	_ =	task.clear_ibuf [dreg:s8], $0x2FFFF;
	_ =	strace $0x9FFFFFFF  }
0xc4: {  	(tm) =	ssettm $0x7FFFFFFF  }
0xc5: {  	_ =	shalt  }
tec
execute0_lowered:
.L_overlay_start_1:
0x0: {  	(tag) =	ssettag $0x1  }
0x1: {  	s5 =	rddreg [dreg:$0x0]  }
0x2: {  	s0 =	srdreg.scid;
	s2 =	rddreg [dreg:$0x1]  }
0x3: {  	s9 =	stileid.u32;
	s4 =	rddreg [dreg:$0x2]  }
0x4: {  	s3 =	simm.s32 $0x0;
	s12 =	simm.s32 $0x80;
	s13 =	simm.s32 $0x1000  }
0x5: {  	s14 =	simm.s32 $0x5000;
	s15 =	simm.s32 $0x100;
	s16 =	simm.s32 $0x9000  }
0x6: {  	s17 =	simm.s32 $0xD000;
	s18 =	simm.s32 $0x1;
	s19 =	simm.s32 $0x2  }
0x7: {  	s20 =	simm.s32 $0x3;
	s21 =	simm.s32 $0x4;
	s22 =	simm.s32 $0x5  }
0x8: {  	s23 =	simm.s32 $0x6;
	s24 =	simm.s32 $0x7;
	s6 =	smul.u32 $0x20800, s9  }
0x9: {  	s25 =	simm.s32 $0x8;
	s0 =	sand.u32 $0x1, s0;
	s11 =	smul.u32 $0x1040000, s9  }
0xa: {  	s1 =	sshll.u32 s9, $0x1;
	[smem:$0x7FF] =	sst s3;
	s7 =	smul.u32 $0x10400, s0  }
0xb: {  	s1 =	sor.u32 s0, s1;
	s8 =	ssub.s32 $0x2, s0;
	s0 =	smul.u32 $0x820000, s0  }
0xc: {  	s4 =	sadd.s32 $0x1400, s4;
	s1 =	smul.u32 $0x10400, s1;
	s28 =	sshrl.u32 s8, $0x1  }
0xd: {  	_ =	strace $0x80000047;
	s8 =	ssub.s32 s8, s28;
	s7 =	sadd.s32 s7, s6  }
0xe: {  	s29 =	sadd.s32 s0, s11;
	s10 =	sor.u32 $0x80, s1;
	s9 =	sor.u32 $0x100, s1  }
0xf: {  	s0 =	sor.u32 $0x180, s1;
	s30 =	sshrl.u32 s29, $0x3;
	s8 =	smax.u32 s8, $0x1  }
0x10: {  	s31 =	sshrl.u32 s7, $0x3;
	[dreg:$0x4] =	wrdreg s8;
	s1 =	sadd.s32 s30, s4  }
0x11: {  	s26 =	simm.s32 $0x0;
	s11 =	sadd.s32 s31, s5;
	[dreg:$0x5] =	wrdreg s1  }
.LBB2_1:
0x12: {  	s28 =	smov.u32 s11  }
0x13: {  	s29 =	rddreg [dreg:$0x5];
	s30 =	simm.s32 $0x0;
	s31 =	simm.s32 $0x0  }
.LBB2_2:
0x14: {  	s1 =	sand.u32 $0x7, s31  }
0x15: {  	p0 =	sne.s32 s1, $0x0  }
0x16: {  	s5 =	simm.s32 @!p0 $0x0  }
0x17: {  	[tilespmem:s5], [sflag:$0x9] =	stream.linear.gather @!p0 [hbm4b:s28+s5], $0x1000, $0x38;
	[tilespmem:$0x11000] =	vst v63  }
0x18: {  	s5 =	simm.s32 @!p0 $0x9  }
0x19: {  	p1 =	sne.s32 @!p0 s30, $0x0;
	_ =	swait.ge @!p0 [sflag:s5], $0x1000  }
0x1a: {  	p1 =	por p0, p1;
	[sflag:s5] =	ssyncset.done @!p0 $0x0  }
0x1b: {  	s1 =	simm.s32 @!p1 $0x0;
	[sflag:s5] =	ssyncadd.s32 @!p0 $0xFFFFF000  }
0x1c: {  	[tilespmem:s13], [sflag:$0x1] =	stream.indirect.gather @!p1 [hbm4b:s2+s12], $0x80, s1, s12, $0xb8;
	[tilespmem:$0x11000] =	vst v63  }
0x1d: {  	_ = 	snop  }
0x1e: {  	[tilespmem:s14], [sflag:$0x2] =	stream.indirect.gather @!p1 [hbm4b:s2+s12], $0x80, s12, s12, $0xb8;
	[tilespmem:$0x11000] =	vst v63  }
0x1f: {  	_ = 	snop  }
0x20: {  	[tilespmem:s16], [sflag:$0x3] =	stream.indirect.gather @!p1 [hbm4b:s2+s12], $0x80, s15, s12, $0xb8;
	[tilespmem:$0x11000] =	vst v63  }
0x21: {  	_ =	swait.ge @p1 [sflag:s22], $0x4000  }
0x22: {  	[sflag:s22] =	ssyncset.done @p1 $0x0  }
0x23: {  	s1 =	sshll.u32 @p1 s1, $0x9;
	[sflag:s22] =	ssyncadd.s32 @p1 $0xFFFFC000  }
0x24: {  	[tilespmem:s13], [sflag:$0x1] =	stream.indirect.gather @p1 [hbm4b:s2+s12], $0x80, s1, s12, $0xb8;
	[tilespmem:$0x11000] =	vst v63  }
0x25: {  	_ =	swait.ge @p1 [sflag:s23], $0x4000  }
0x26: {  	s5 =	smov.u32 @!p1 s10;
	[sflag:s23] =	ssyncset.done @p1 $0x0  }
0x27: {  	s5 =	sor.u32 @p1 $0x80, s1;
	[sflag:s23] =	ssyncadd.s32 @p1 $0xFFFFC000  }
0x28: {  	[tilespmem:s14], [sflag:$0x2] =	stream.indirect.gather @p1 [hbm4b:s2+s12], $0x80, s5, s12, $0xb8;
	[tilespmem:$0x11000] =	vst v63  }
0x29: {  	_ =	swait.ge @p1 [sflag:s24], $0x4000  }
0x2a: {  	[sflag:s24] =	ssyncset.done @p1 $0x0  }
0x2b: {  	s5 =	sor.u32 @p1 $0x100, s1;
	[sflag:s24] =	ssyncadd.s32 @p1 $0xFFFFC000  }
0x2c: {  	[tilespmem:s16], [sflag:$0x3] =	stream.indirect.gather @p1 [hbm4b:s2+s12], $0x80, s5, s12, $0xb8;
	[tilespmem:$0x11000] =	vst v63  }
0x2d: {  	_ =	swait.ge @p1 [sflag:s25], $0x4000  }
0x2e: {  	[sflag:s25] =	ssyncset.done @p1 $0x0  }
0x2f: {  	s1 =	sadd.s32 $0x180, s1;
	[sflag:s25] =	ssyncadd.s32 @p1 $0xFFFFC000  }
0x30: {  	[tilespmem:s17], [sflag:$0x4] =	stream.indirect.gather [hbm4b:s2+s12], $0x80, s1, s12, $0xb8;
	[tilespmem:$0x11000] =	vst v63  }
0x31: {  	_ =	swait.ge [sflag:s18], $0x4000  }
0x32: {  	s8 =	smov.u32 @!p1 s0;
	[sflag:s18] =	ssyncset.done $0x0  }
0x33: {  	s8 =	sadd.s32 @p1 s30, s7;
	[sflag:s18] =	ssyncadd.s32 $0xFFFFC000  }
0x34: {  	[hbm4b:s29+s3] =	stream.linear.scatter [tilespmem:s13], [sflag:$0x5], $0x4000, $0x38;
	[tilespmem:$0x11000] =	vst v63  }
0x35: {  	s5 =	sadd.s32 @p1 $0x80, s8;
	_ =	swait.ge [sflag:s19], $0x4000  }
0x36: {  	s5 =	sshll.u32 s5, $0x4;
	[sflag:s19] =	ssyncset.done $0x0  }
0x37: {  	s6 =	smov.u32 @!p1 s9;
	s1 =	sadd.s32 s4, s5;
	[sflag:s19] =	ssyncadd.s32 $0xFFFFC000  }
0x38: {  	[hbm4b:s1+s3] =	stream.linear.scatter [tilespmem:s14], [sflag:$0x6], $0x4000, $0x38;
	[tilespmem:$0x11000] =	vst v63  }
0x39: {  	s6 =	sadd.s32 @p1 $0x100, s8;
	_ =	swait.ge [sflag:s20], $0x4000  }
0x3a: {  	s30 =	sadd.s32 $0x200, s30;
	s6 =	sshll.u32 s6, $0x4;
	[sflag:s20] =	ssyncset.done $0x0  }
0x3b: {  	p0 =	sne.s32 s30, $0x10400;
	s1 =	sadd.s32 s4, s6;
	[sflag:s20] =	ssyncadd.s32 $0xFFFFC000  }
0x3c: {  	[hbm4b:s1+s3] =	stream.linear.scatter [tilespmem:s16], [sflag:$0x7], $0x4000, $0x38;
	[tilespmem:$0x11000] =	vst v63  }
.Ltmp0:
0x3d: {  	_ = 	snop;
	(pc) =	sbr.rel @p0 .LBB2_2-.Ltmp0, $4  }
0x3e: {  	s31 =	sadd.s32 $0x1, s31;
	s8 =	sadd.s32 @p1 $0x180, s8;
	_ =	swait.ge [sflag:s21], $0x4000  }
0x3f: {  	s28 =	sadd.s32 $0x40, s28;
	s8 =	sshll.u32 s8, $0x4;
	[sflag:s21] =	ssyncset.done $0x0  }
0x40: {  	s29 =	sadd.s32 $0x2000, s29;
	s1 =	sadd.s32 s4, s8;
	[sflag:s21] =	ssyncadd.s32 $0xFFFFC000  }
0x41: {  	[hbm4b:s1+s3] =	stream.linear.scatter [tilespmem:s17], [sflag:$0x8], $0x4000, $0x38;
	[tilespmem:$0x11000] =	vst v63  }
0x42: {  	_ =	swait.ge [sflag:s22], $0x4000  }
0x43: {  	[sflag:s22] =	ssyncset.done $0x0  }
0x44: {  	[sflag:s22] =	ssyncadd.s32 $0xFFFFC000  }
0x45: {  	_ =	swait.ge [sflag:s23], $0x4000  }
0x46: {  	[sflag:s23] =	ssyncset.done $0x0  }
0x47: {  	[sflag:s23] =	ssyncadd.s32 $0xFFFFC000  }
0x48: {  	_ =	swait.ge [sflag:s24], $0x4000  }
0x49: {  	[sflag:s24] =	ssyncset.done $0x0  }
0x4a: {  	[sflag:s24] =	ssyncadd.s32 $0xFFFFC000  }
0x4b: {  	_ =	swait.ge [sflag:s25], $0x4000  }
0x4c: {  	s26 =	sadd.s32 $0x1, s26;
	s1 =	rddreg [dreg:$0x4]  }
0x4d: {  	p0 =	sne.s32 s26, s1  }
.Ltmp1:
0x4e: {  	_ = 	snop;
	(pc) =	sbr.rel @p0 .LBB2_1-.Ltmp1, $3  }
0x4f: {  	_ =	sdelay $0x1  }
0x50: {  	[sflag:s25] =	ssyncset.done $0x0  }
0x51: {  	[sflag:s25] =	ssyncadd.s32 $0xFFFFC000  }
0x52: {  	_ =	sfence.sel $0x180000  }
0x53: {  	[bflag:$0x0] =	sbarrier.arrive $0xFFFF  }
0x54: {  	_ =	strace $0x90000047  }
0x55: {  	s0 =	stileid.u32;
	[bflag:$0x2] =	sbarrier.arrive $0xFFFF  }
0x56: {  	p0 =	sne.s32 s0, $0x0;
	s0 =	rddreg [dreg:$0x3]  }
0x57: {  	s0 =	sadd.s32 @!p0 $0x100000, s0  }
0x58: {  	[sflag:s0] =	ssyncadd.tile.s32 @!p0 $0x1;
	_ =	shalt  }
.Lfunc_end2:
_tile_overlayer_lowered:
.L_overlay_start_2:
0x59: {  	(tag) =	ssettag $0x2  }
0x5a: {  	s0 =	rddreg [dreg:$0x0];
	s2 =	stileid.u32  }
0x5b: {  	s1 =	rddreg [dreg:$0x1];
	p0 =	sne.s32 s2, $0x0  }
0x5c: {  	s3 =	rddreg [dreg:$0x2];
	[bflag:$0x3] =	sbarrier.arrive $0xFFFF;
	s2 =	simm.s32 @!p0 $0x1C09  }
0x5d: {  	[timem:s3], [sflag:s2] =	dma.local @!p0 [hbm:s0], s1  }
0x5e: {  	s0 =	simm.s32 @!p0 $0x9  }
0x5f: {  	_ =	swait.ge @!p0 [sflag:s0], s1  }
0x60: {  	s1 =	ssub.s32 @!p0 $0x0, s1;
	[sflag:s0] =	ssyncset.done @!p0 $0x0  }
0x61: {  	[sflag:s0] =	ssyncadd.s32 @!p0 s1  }
0x62: {  	[bflag:$0x3] =	sbarrier.arrive $0xFFFF  }
0x63: {  	_ =	shalt  }

</sc_bundles>
